<compile_context>
chip_gen: v7x
topology: tpu7x:2x2x1
jax: 0.10.2.dev20260603
libtpu: 0.0.44.dev20260713+nightly
codegen_flags: <defaults>
</compile_context>

<pallas_src>
import math

import jax
import jax.numpy as jnp
from jax import lax
from jax.experimental import pallas as pl
from jax.experimental.pallas import tpu as pltpu
from jax.experimental.pallas import tpu_sc as plsc

N_SUM_NODES = 10000
N_CHILDREN = 50000
N_NNZ = 160000
BATCH_N = 128

SC_CORES = 2
SC_SUBCORES = 16
SC_LANES = 16
N_WORKERS = SC_CORES * SC_SUBCORES

NNZ_PAD = 163840
PER_WORKER = NNZ_PAD // N_WORKERS
CHUNK = 128
GDEPTH = 2
N_GROUPS = PER_WORKER // (CHUNK * GDEPTH)
N_SUM_PAD = 10240
ROWS_PER_TILE = N_SUM_PAD // SC_SUBCORES
ZERO_BLK = 128
Z_ROWS = N_SUM_PAD // BATCH_N

_PDF_BLK = 5000
_LW_BLK = NNZ_PAD // 128 // 10
_FIN_BLK = 1024
_EXP_BLK = 4096
_HALF_LOG_2PI = 0.5 * math.log(2.0 * math.pi)


def _prep_body(x_ref, locs_ref, scales_ref, lw_ref, p_ref, ew_ref):
    s = scales_ref[...] + 0.5
    z = (x_ref[...] - locs_ref[...]) / s
    ll = -0.5 * z * z - jnp.log(s) - _HALF_LOG_2PI
    p_ref[...] = jnp.exp(ll)
    ew_ref[...] = jnp.exp(lw_ref[...])


def _expb_body(w_ref, out_ref):
    out_ref[...] = jnp.broadcast_to(jnp.exp(w_ref[...]),
                                    (_EXP_BLK, SC_LANES))


def _fin_body(acc_ref, zacc_ref, out_ref):
    if SC_CORES == 2:
        a = acc_ref[0] + acc_ref[1]
        zblk = (zacc_ref[0] + zacc_ref[1]).reshape(_FIN_BLK)
    else:
        a = acc_ref[0]
        zblk = zacc_ref[0].reshape(_FIN_BLK)
    out_ref[...] = jnp.log(a) - jnp.log(zblk)[:, None]


def _sc_accum_body(ew_hbm, ewb_hbm, rows_hbm, cols_hbm, p_hbm,
                   out_hbm, zout_hbm,
                   cols_v, rows_v, ew_v, wb_v, gath_v, zloc_v,
                   ziota_v, acc_sh, zsh, sem):
    c = lax.axis_index("c")
    s = lax.axis_index("s")
    wid = s * SC_CORES + c

    def _zrow(i, _):
        for q in range(BATCH_N // SC_LANES):
            gath_v[i, pl.ds(q * SC_LANES, SC_LANES)] = jnp.zeros(
                (SC_LANES,), jnp.float32)
        return 0

    lax.fori_loop(0, ZERO_BLK, _zrow, 0)
    for k in range(ROWS_PER_TILE // ZERO_BLK):
        pltpu.sync_copy(
            gath_v.at[pl.ds(0, ZERO_BLK)],
            acc_sh.at[pl.ds(s * ROWS_PER_TILE + k * ZERO_BLK, ZERO_BLK)])

    def _zlrow(i, _):
        for q in range(BATCH_N // SC_LANES):
            zloc_v[i, pl.ds(q * SC_LANES, SC_LANES)] = jnp.zeros(
                (SC_LANES,), jnp.float32)
        return 0

    lax.fori_loop(0, Z_ROWS, _zlrow, 0)
    for k in range(Z_ROWS // SC_LANES):
        ziota_v[pl.ds(k * SC_LANES, SC_LANES)] = (
            lax.iota(jnp.int32, SC_LANES) + (k * SC_LANES))

    @pl.when(s == 0)
    def _():
        pltpu.sync_copy(gath_v.at[pl.ds(0, Z_ROWS)], zsh)

    plsc.subcore_barrier()

    def _group(g, _):
        gbase = wid * PER_WORKER + g * (GDEPTH * CHUNK)
        descs = []
        for b in range(GDEPTH):
            base = gbase + b * CHUNK
            pltpu.sync_copy(cols_hbm.at[pl.ds(base, CHUNK)], cols_v.at[b])
            pltpu.sync_copy(rows_hbm.at[pl.ds(base, CHUNK)], rows_v.at[b])
            pltpu.sync_copy(ew_hbm.at[pl.ds(base, CHUNK)], ew_v.at[b])
            pltpu.sync_copy(
                ewb_hbm.at[pl.ds(base * SC_LANES, CHUNK * SC_LANES)],
                wb_v.at[b])
            descs.append(pltpu.async_copy(
                p_hbm.at[cols_v.at[b]],
                gath_v.at[pl.ds(b * CHUNK, CHUNK)], sem))
        for d in descs:
            d.wait()
        for b in range(GDEPTH):
            def _mulrow(j, _, b=b):
                off = pl.multiple_of(j * SC_LANES, SC_LANES)
                wsp = wb_v[b, pl.ds(off, SC_LANES)]
                for q in range(BATCH_N // SC_LANES):
                    sl = pl.ds(q * SC_LANES, SC_LANES)
                    gath_v[b * CHUNK + j, sl] = gath_v[b * CHUNK + j, sl] * wsp
                return 0

            lax.fori_loop(0, CHUNK, _mulrow, 0)
            pltpu.sync_copy(gath_v.at[pl.ds(b * CHUNK, CHUNK)],
                            acc_sh.at[rows_v.at[b]], add=True)
            for q in range(CHUNK // SC_LANES):
                sl = pl.ds(q * SC_LANES, SC_LANES)
                idx = rows_v[b, sl]
                plsc.addupdate_scatter(
                    zloc_v,
                    [lax.shift_right_logical(idx, 7),
                     lax.bitwise_and(idx, jnp.int32(127))],
                    ew_v[b, sl])
        return 0

    lax.fori_loop(0, N_GROUPS, _group, 0)

    pltpu.sync_copy(zloc_v, zsh.at[ziota_v], add=True)
    plsc.subcore_barrier()

    pltpu.sync_copy(
        acc_sh.at[pl.ds(s * ROWS_PER_TILE, ROWS_PER_TILE)],
        out_hbm.at[c, pl.ds(s * ROWS_PER_TILE, ROWS_PER_TILE)])

    @pl.when(s == 0)
    def _():
        pltpu.sync_copy(zsh, zout_hbm.at[c])


def _make_sc_accum():
    return pl.kernel(
        _sc_accum_body,
        out_type=(
            jax.ShapeDtypeStruct((SC_CORES, N_SUM_PAD, BATCH_N), jnp.float32),
            jax.ShapeDtypeStruct((SC_CORES, Z_ROWS, BATCH_N), jnp.float32),
        ),
        mesh=plsc.VectorSubcoreMesh(core_axis_name="c", subcore_axis_name="s",
                                    num_cores=SC_CORES,
                                    num_subcores=SC_SUBCORES),
        compiler_params=pltpu.CompilerParams(needs_layout_passes=False),
        scratch_types=[
            pltpu.VMEM((GDEPTH, CHUNK), jnp.int32),
            pltpu.VMEM((GDEPTH, CHUNK), jnp.int32),
            pltpu.VMEM((GDEPTH, CHUNK), jnp.float32),
            pltpu.VMEM((GDEPTH, CHUNK * SC_LANES), jnp.float32),
            pltpu.VMEM((GDEPTH * CHUNK, BATCH_N), jnp.float32),
            pltpu.VMEM((Z_ROWS, BATCH_N), jnp.float32),
            pltpu.VMEM((Z_ROWS,), jnp.int32),
            pltpu.VMEM_SHARED((N_SUM_PAD, BATCH_N), jnp.float32),
            pltpu.VMEM_SHARED((Z_ROWS, BATCH_N), jnp.float32),
            pltpu.SemaphoreType.DMA,
        ],
    )


def kernel(x, locs, scales, log_weight_data, rows, cols):
    pad = NNZ_PAD - N_NNZ
    lw_p = jnp.concatenate(
        [log_weight_data, jnp.full(pad, -1e30, jnp.float32)])
    p_table, ew2d = pl.pallas_call(
        _prep_body,
        grid=(N_CHILDREN // _PDF_BLK,),
        in_specs=[
            pl.BlockSpec((1, BATCH_N), lambda i: (0, 0)),
            pl.BlockSpec((_PDF_BLK, 1), lambda i: (i, 0)),
            pl.BlockSpec((_PDF_BLK, 1), lambda i: (i, 0)),
            pl.BlockSpec((_LW_BLK, 128), lambda i: (i, 0)),
        ],
        out_specs=[
            pl.BlockSpec((_PDF_BLK, BATCH_N), lambda i: (i, 0)),
            pl.BlockSpec((_LW_BLK, 128), lambda i: (i, 0)),
        ],
        out_shape=[
            jax.ShapeDtypeStruct((N_CHILDREN, BATCH_N), jnp.float32),
            jax.ShapeDtypeStruct((NNZ_PAD // 128, 128), jnp.float32),
        ],
    )(x.reshape(1, BATCH_N), locs.reshape(N_CHILDREN, 1),
      scales.reshape(N_CHILDREN, 1), lw_p.reshape(NNZ_PAD // 128, 128))

    ewb = pl.pallas_call(
        _expb_body,
        grid=(NNZ_PAD // _EXP_BLK,),
        in_specs=[pl.BlockSpec((_EXP_BLK, 1), lambda i: (i, 0))],
        out_specs=pl.BlockSpec((_EXP_BLK, SC_LANES), lambda i: (i, 0)),
        out_shape=jax.ShapeDtypeStruct((NNZ_PAD, SC_LANES), jnp.float32),
    )(lw_p.reshape(NNZ_PAD, 1))

    rows_p = jnp.concatenate([rows, jnp.zeros(pad, jnp.int32)])
    cols_p = jnp.concatenate([cols, jnp.zeros(pad, jnp.int32)])

    acc, zacc = _make_sc_accum()(ew2d.reshape(NNZ_PAD),
                                 ewb.reshape(NNZ_PAD * SC_LANES),
                                 rows_p, cols_p, p_table)

    out_t = pl.pallas_call(
        _fin_body,
        grid=(N_SUM_PAD // _FIN_BLK,),
        in_specs=[
            pl.BlockSpec((SC_CORES, _FIN_BLK, BATCH_N), lambda j: (0, j, 0)),
            pl.BlockSpec((SC_CORES, _FIN_BLK // BATCH_N, BATCH_N),
                         lambda j: (0, j, 0)),
        ],
        out_specs=pl.BlockSpec((_FIN_BLK, BATCH_N), lambda j: (j, 0)),
        out_shape=jax.ShapeDtypeStruct((N_SUM_PAD, BATCH_N), jnp.float32),
    )(acc, zacc)
    return out_t[:N_SUM_NODES].T

# --- scband reference (transcript-rebuilt; emitter-appended) ---
"""Pipeline reference for scband-sum-layer-9019431322292 (READ-ONLY COPY).

The authoritative reference and input builder live on the scoring server;
editing this copy changes nothing except your own understanding.
"""

import jax, jax.numpy as jnp
import numpy as np

N_SUM = 10000
N_CHILD = 50000
NNZ = 160000
BATCH = 128


def setup_inputs(seed: int = 0) -> dict:
    key = jax.random.key(seed)
    k1, k2, k3, k4, k5, k6 = jax.random.split(key, 6)
    x = jax.random.normal(k1, (BATCH, 1), dtype=jnp.float32)
    locs = jax.random.normal(k2, (N_CHILD,), dtype=jnp.float32)
    scales = jax.random.uniform(k3, (N_CHILD,), dtype=jnp.float32)
    log_weight_data = jax.random.normal(k4, (NNZ,), dtype=jnp.float32)
    rows = jnp.sort(jax.random.randint(k5, (NNZ,), 0, N_SUM, dtype=jnp.int32))
    cols = jax.random.randint(k6, (NNZ,), 0, N_CHILD, dtype=jnp.int32)
    return {"x": x, "locs": locs, "scales": scales, "log_weight_data": log_weight_data, "rows": rows, "cols": cols}


def _child_log_likelihood_single(x_single, locs, scales):
    # Gaussian input layer: one univariate distribution per child node, shared scope (variable 0).
    s = scales + 0.5
    z = (x_single[0] - locs) / s
    return -0.5 * z * z - jnp.log(s) - 0.5 * jnp.log(2.0 * jnp.pi)


def _log_likelihood_of_nodes_single(x_single, locs, scales, log_weight_data, rows, cols):
    # SumLayer.log_likelihood_of_nodes_single:
    #   result = zeros(number_of_nodes)
    #   for each (log_weights BCOO, child_layer):
    #       child_ll = child_layer.log_likelihood_of_nodes_single(x)
    #       cloned.data = exp(log_weights.data + child_ll[indices[:, 1]])   # gather
    #       result += bcoo_reduce_sum(cloned, axes=(1,)).todense()           # scatter-add / segment_sum
    #   return log(result) - log_normalization_constant
    child_ll = _child_log_likelihood_single(x_single, locs, scales)
    weighted = jnp.exp(log_weight_data + child_ll[cols])
    result = jax.ops.segment_sum(weighted, rows, num_segments=N_SUM)
    # log_normalization_constant: log of row-sums of exp(log_weights)
    z = jax.ops.segment_sum(jnp.exp(log_weight_data), rows, num_segments=N_SUM)
    return jnp.log(result) - jnp.log(z)


def reference(x, locs, scales, log_weight_data, rows, cols):
    # Layer.log_likelihood_of_nodes: vmap of the single-sample version over the batch.
    f = lambda xs: _log_likelihood_of_nodes_single(xs, locs, scales, log_weight_data, rows, cols)
    return jax.vmap(f)(x)

if __name__ == "__main__":
    import jax
    _d = setup_inputs()
    print(jax.jit(kernel)(*tuple(_d.values())))

</pallas_src>

<mosaic_0001>
#map = affine_map<(d0, d1) -> (0)>
#map1 = affine_map<(d0, d1) -> (0, 0)>
#map2 = affine_map<(d0, d1) -> (0, 0, 0)>
module attributes {stable_mosaic.version = 14 : i64} {
  func.func @_sc_accum_body(%arg0: i32, %arg1: i32, %arg2: memref<163840xf32, #tpu.memory_space<hbm>>, %arg3: memref<2621440xf32, #tpu.memory_space<hbm>>, %arg4: memref<163840xi32, #tpu.memory_space<hbm>>, %arg5: memref<163840xi32, #tpu.memory_space<hbm>>, %arg6: memref<50000x128xf32, #tpu.memory_space<hbm>>, %arg7: memref<2x10240x128xf32, #tpu.memory_space<hbm>>, %arg8: memref<2x80x128xf32, #tpu.memory_space<hbm>>, %arg9: memref<2x128xi32, #tpu.memory_space<vmem>>, %arg10: memref<2x128xi32, #tpu.memory_space<vmem>>, %arg11: memref<2x128xf32, #tpu.memory_space<vmem>>, %arg12: memref<2x2048xf32, #tpu.memory_space<vmem>>, %arg13: memref<256x128xf32, #tpu.memory_space<vmem>>, %arg14: memref<80x128xf32, #tpu.memory_space<vmem>>, %arg15: memref<80xi32, #tpu.memory_space<vmem>>, %arg16: memref<10240x128xf32, #tpu.memory_space<vmem_shared>>, %arg17: memref<80x128xf32, #tpu.memory_space<vmem_shared>>, %arg18: memref<!tpu.dma_semaphore, #tpu.memory_space<semaphore_mem>>) attributes {dimension_semantics = [#tpu.dimension_semantics<core_parallel>, #tpu.dimension_semantics<subcore_parallel>], iteration_bounds = array<i64: 2, 16>, scalar_prefetch = 0 : i64, scratch_operands = 10 : i64, tpu.core_type = #tpu.core_type<sc_vector_subcore>, window_params = [{transform_indices = #map}, {transform_indices = #map}, {transform_indices = #map}, {transform_indices = #map}, {transform_indices = #map1}, {transform_indices = #map2}, {transform_indices = #map2}]} {
    %mul3A = arith.constant 2 : i32
    %mul3A_0 = arith.muli %arg1, %mul3A : i32
    %add3A = arith.addi %mul3A_0, %arg0 : i32
    %scan3A = arith.constant 0 : i32
    %scan3A_1 = arith.constant 0 : i32
    %scan3A_2 = arith.constant 128 : i32
    %scan3A_3 = arith.addi %scan3A_1, %scan3A_2 : i32
    %scan3A_4 = arith.constant 1 : i32
    %scan3A_5 = scf.for %scan3A_81 = %scan3A_1 to %scan3A_3 step %scan3A_4 iter_args(%scan3A_82 = %scan3A) -> (i32)  : i32 {
      %broadcast_in_dim3A = arith.constant 0.000000e+00 : f32
      %broadcast_in_dim3A_83 = vector.broadcast %broadcast_in_dim3A : f32 to vector<16xf32>
      %swap3A_84 = arith.index_cast %scan3A_81 : i32 to index
      %swap3A_85 = arith.constant 0 : index
      %swap3A_86 = tpu.vector_load %arg13[%swap3A_84, %swap3A_85] {strides = array<i32>} : memref<256x128xf32, #tpu.memory_space<vmem>>, vector<16xf32>,
      tpu.vector_store %arg13[%swap3A_84, %swap3A_85], %broadcast_in_dim3A_83 {strides = array<i32>} : memref<256x128xf32, #tpu.memory_space<vmem>>, vector<16xf32>,
      %broadcast_in_dim3A_87 = arith.constant 0.000000e+00 : f32
      %broadcast_in_dim3A_88 = vector.broadcast %broadcast_in_dim3A_87 : f32 to vector<16xf32>
      %swap3A_89 = arith.index_cast %scan3A_81 : i32 to index
      %swap3A_90 = arith.constant 16 : index
      %swap3A_91 = tpu.vector_load %arg13[%swap3A_89, %swap3A_90] {strides = array<i32>} : memref<256x128xf32, #tpu.memory_space<vmem>>, vector<16xf32>,
      tpu.vector_store %arg13[%swap3A_89, %swap3A_90], %broadcast_in_dim3A_88 {strides = array<i32>} : memref<256x128xf32, #tpu.memory_space<vmem>>, vector<16xf32>,
      %broadcast_in_dim3A_92 = arith.constant 0.000000e+00 : f32
      %broadcast_in_dim3A_93 = vector.broadcast %broadcast_in_dim3A_92 : f32 to vector<16xf32>
      %swap3A_94 = arith.index_cast %scan3A_81 : i32 to index
      %swap3A_95 = arith.constant 32 : index
      %swap3A_96 = tpu.vector_load %arg13[%swap3A_94, %swap3A_95] {strides = array<i32>} : memref<256x128xf32, #tpu.memory_space<vmem>>, vector<16xf32>,
      tpu.vector_store %arg13[%swap3A_94, %swap3A_95], %broadcast_in_dim3A_93 {strides = array<i32>} : memref<256x128xf32, #tpu.memory_space<vmem>>, vector<16xf32>,
      %broadcast_in_dim3A_97 = arith.constant 0.000000e+00 : f32
      %broadcast_in_dim3A_98 = vector.broadcast %broadcast_in_dim3A_97 : f32 to vector<16xf32>
      %swap3A_99 = arith.index_cast %scan3A_81 : i32 to index
      %swap3A_100 = arith.constant 48 : index
      %swap3A_101 = tpu.vector_load %arg13[%swap3A_99, %swap3A_100] {strides = array<i32>} : memref<256x128xf32, #tpu.memory_space<vmem>>, vector<16xf32>,
      tpu.vector_store %arg13[%swap3A_99, %swap3A_100], %broadcast_in_dim3A_98 {strides = array<i32>} : memref<256x128xf32, #tpu.memory_space<vmem>>, vector<16xf32>,
      %broadcast_in_dim3A_102 = arith.constant 0.000000e+00 : f32
      %broadcast_in_dim3A_103 = vector.broadcast %broadcast_in_dim3A_102 : f32 to vector<16xf32>
      %swap3A_104 = arith.index_cast %scan3A_81 : i32 to index
      %swap3A_105 = arith.constant 64 : index
      %swap3A_106 = tpu.vector_load %arg13[%swap3A_104, %swap3A_105] {strides = array<i32>} : memref<256x128xf32, #tpu.memory_space<vmem>>, vector<16xf32>,
      tpu.vector_store %arg13[%swap3A_104, %swap3A_105], %broadcast_in_dim3A_103 {strides = array<i32>} : memref<256x128xf32, #tpu.memory_space<vmem>>, vector<16xf32>,
      %broadcast_in_dim3A_107 = arith.constant 0.000000e+00 : f32
      %broadcast_in_dim3A_108 = vector.broadcast %broadcast_in_dim3A_107 : f32 to vector<16xf32>
      %swap3A_109 = arith.index_cast %scan3A_81 : i32 to index
      %swap3A_110 = arith.constant 80 : index
      %swap3A_111 = tpu.vector_load %arg13[%swap3A_109, %swap3A_110] {strides = array<i32>} : memref<256x128xf32, #tpu.memory_space<vmem>>, vector<16xf32>,
      tpu.vector_store %arg13[%swap3A_109, %swap3A_110], %broadcast_in_dim3A_108 {strides = array<i32>} : memref<256x128xf32, #tpu.memory_space<vmem>>, vector<16xf32>,
      %broadcast_in_dim3A_112 = arith.constant 0.000000e+00 : f32
      %broadcast_in_dim3A_113 = vector.broadcast %broadcast_in_dim3A_112 : f32 to vector<16xf32>
      %swap3A_114 = arith.index_cast %scan3A_81 : i32 to index
      %swap3A_115 = arith.constant 96 : index
      %swap3A_116 = tpu.vector_load %arg13[%swap3A_114, %swap3A_115] {strides = array<i32>} : memref<256x128xf32, #tpu.memory_space<vmem>>, vector<16xf32>,
      tpu.vector_store %arg13[%swap3A_114, %swap3A_115], %broadcast_in_dim3A_113 {strides = array<i32>} : memref<256x128xf32, #tpu.memory_space<vmem>>, vector<16xf32>,
      %broadcast_in_dim3A_117 = arith.constant 0.000000e+00 : f32
      %broadcast_in_dim3A_118 = vector.broadcast %broadcast_in_dim3A_117 : f32 to vector<16xf32>
      %swap3A_119 = arith.index_cast %scan3A_81 : i32 to index
      %swap3A_120 = arith.constant 112 : index
      %swap3A_121 = tpu.vector_load %arg13[%swap3A_119, %swap3A_120] {strides = array<i32>} : memref<256x128xf32, #tpu.memory_space<vmem>>, vector<16xf32>,
      tpu.vector_store %arg13[%swap3A_119, %swap3A_120], %broadcast_in_dim3A_118 {strides = array<i32>} : memref<256x128xf32, #tpu.memory_space<vmem>>, vector<16xf32>,
      %scan3A_122 = arith.constant 0 : i32
      scf.yield %scan3A_122 : i32
    }
    %scan3A_6 = arith.constant 128 : i32
    %mul3A_7 = arith.constant 640 : i32
    %mul3A_8 = arith.muli %arg1, %mul3A_7 : i32
    %add3A_9 = arith.constant 0 : i32
    %add3A_10 = arith.addi %mul3A_8, %add3A_9 : i32
    "tpu.region"() ({
      %run_scoped3A = tpu.sem_alloc : memref<!tpu.dma_semaphore, #tpu.memory_space<semaphore_mem>>
      %dma_start3A = arith.constant 0 : i32
      %dma_start3A_81 = arith.constant 0 : i32
      %dma_start3A_82 = tpu.memref_slice %arg13[%dma_start3A, %dma_start3A_81] : memref<256x128xf32, #tpu.memory_space<vmem>> -> memref<128x128xf32, #tpu.memory_space<vmem>>
      %dma_start3A_83 = arith.constant 0 : i32
      %dma_start3A_84 = tpu.memref_slice %arg16[%add3A_10, %dma_start3A_83] : memref<10240x128xf32, #tpu.memory_space<vmem_shared>> -> memref<128x128xf32, #tpu.memory_space<vmem_shared>>
      %dma_start3A_85 = arith.constant 0 : i32
      %dma_start3A_86 = tpu.memref_slice %arg16[%add3A_10, %dma_start3A_85] : memref<10240x128xf32, #tpu.memory_space<vmem_shared>> -> memref<128x128xf32, #tpu.memory_space<vmem_shared>>
      %dma_start3A_87 = arith.constant 0 : i32
      %dma_start3A_88 = arith.constant 0 : i32
      %dma_start3A_89 = tpu.memref_slice %arg13[%dma_start3A_87, %dma_start3A_88] : memref<256x128xf32, #tpu.memory_space<vmem>> -> memref<128x128xf32, #tpu.memory_space<vmem>>
      tpu.enqueue_dma source(%dma_start3A_89 : memref<128x128xf32, #tpu.memory_space<vmem>>) target(%dma_start3A_86 : memref<128x128xf32, #tpu.memory_space<vmem_shared>>) target_semaphore(%run_scoped3A : memref<!tpu.dma_semaphore, #tpu.memory_space<semaphore_mem>>)
      %dma_wait3A = arith.constant 0 : i32
      %dma_wait3A_90 = arith.constant 0 : i32
      %dma_wait3A_91 = tpu.memref_slice %arg13[%dma_wait3A, %dma_wait3A_90] : memref<256x128xf32, #tpu.memory_space<vmem>> -> memref<128x128xf32, #tpu.memory_space<vmem>>
      %dma_wait3A_92 = arith.constant 0 : i32
      %dma_wait3A_93 = tpu.memref_slice %arg16[%add3A_10, %dma_wait3A_92] : memref<10240x128xf32, #tpu.memory_space<vmem_shared>> -> memref<128x128xf32, #tpu.memory_space<vmem_shared>>
      %dma_wait3A_94 = arith.constant 0 : i32
      %dma_wait3A_95 = tpu.memref_slice %arg16[%add3A_10, %dma_wait3A_94] : memref<10240x128xf32, #tpu.memory_space<vmem_shared>> -> memref<128x128xf32, #tpu.memory_space<vmem_shared>>
      %dma_wait3A_96 = arith.constant 0 : i32
      %dma_wait3A_97 = arith.constant 0 : i32
      %dma_wait3A_98 = tpu.memref_slice %arg13[%dma_wait3A_96, %dma_wait3A_97] : memref<256x128xf32, #tpu.memory_space<vmem>> -> memref<128x128xf32, #tpu.memory_space<vmem>>
      tpu.wait_dma2 semaphore(%run_scoped3A : memref<!tpu.dma_semaphore, #tpu.memory_space<semaphore_mem>>) src(%dma_wait3A_98 : memref<128x128xf32, #tpu.memory_space<vmem>>) dst(%dma_wait3A_95 : memref<128x128xf32, #tpu.memory_space<vmem_shared>>)
      tpu.yield
    }) : () -> ()
    %mul3A_11 = arith.constant 640 : i32
    %mul3A_12 = arith.muli %arg1, %mul3A_11 : i32
    %add3A_13 = arith.constant 128 : i32
    %add3A_14 = arith.addi %mul3A_12, %add3A_13 : i32
    "tpu.region"() ({
      %run_scoped3A = tpu.sem_alloc : memref<!tpu.dma_semaphore, #tpu.memory_space<semaphore_mem>>
      %dma_start3A = arith.constant 0 : i32
      %dma_start3A_81 = arith.constant 0 : i32
      %dma_start3A_82 = tpu.memref_slice %arg13[%dma_start3A, %dma_start3A_81] : memref<256x128xf32, #tpu.memory_space<vmem>> -> memref<128x128xf32, #tpu.memory_space<vmem>>
      %dma_start3A_83 = arith.constant 0 : i32
      %dma_start3A_84 = tpu.memref_slice %arg16[%add3A_14, %dma_start3A_83] : memref<10240x128xf32, #tpu.memory_space<vmem_shared>> -> memref<128x128xf32, #tpu.memory_space<vmem_shared>>
      %dma_start3A_85 = arith.constant 0 : i32
      %dma_start3A_86 = tpu.memref_slice %arg16[%add3A_14, %dma_start3A_85] : memref<10240x128xf32, #tpu.memory_space<vmem_shared>> -> memref<128x128xf32, #tpu.memory_space<vmem_shared>>
      %dma_start3A_87 = arith.constant 0 : i32
      %dma_start3A_88 = arith.constant 0 : i32
      %dma_start3A_89 = tpu.memref_slice %arg13[%dma_start3A_87, %dma_start3A_88] : memref<256x128xf32, #tpu.memory_space<vmem>> -> memref<128x128xf32, #tpu.memory_space<vmem>>
      tpu.enqueue_dma source(%dma_start3A_89 : memref<128x128xf32, #tpu.memory_space<vmem>>) target(%dma_start3A_86 : memref<128x128xf32, #tpu.memory_space<vmem_shared>>) target_semaphore(%run_scoped3A : memref<!tpu.dma_semaphore, #tpu.memory_space<semaphore_mem>>)
      %dma_wait3A = arith.constant 0 : i32
      %dma_wait3A_90 = arith.constant 0 : i32
      %dma_wait3A_91 = tpu.memref_slice %arg13[%dma_wait3A, %dma_wait3A_90] : memref<256x128xf32, #tpu.memory_space<vmem>> -> memref<128x128xf32, #tpu.memory_space<vmem>>
      %dma_wait3A_92 = arith.constant 0 : i32
      %dma_wait3A_93 = tpu.memref_slice %arg16[%add3A_14, %dma_wait3A_92] : memref<10240x128xf32, #tpu.memory_space<vmem_shared>> -> memref<128x128xf32, #tpu.memory_space<vmem_shared>>
      %dma_wait3A_94 = arith.constant 0 : i32
      %dma_wait3A_95 = tpu.memref_slice %arg16[%add3A_14, %dma_wait3A_94] : memref<10240x128xf32, #tpu.memory_space<vmem_shared>> -> memref<128x128xf32, #tpu.memory_space<vmem_shared>>
      %dma_wait3A_96 = arith.constant 0 : i32
      %dma_wait3A_97 = arith.constant 0 : i32
      %dma_wait3A_98 = tpu.memref_slice %arg13[%dma_wait3A_96, %dma_wait3A_97] : memref<256x128xf32, #tpu.memory_space<vmem>> -> memref<128x128xf32, #tpu.memory_space<vmem>>
      tpu.wait_dma2 semaphore(%run_scoped3A : memref<!tpu.dma_semaphore, #tpu.memory_space<semaphore_mem>>) src(%dma_wait3A_98 : memref<128x128xf32, #tpu.memory_space<vmem>>) dst(%dma_wait3A_95 : memref<128x128xf32, #tpu.memory_space<vmem_shared>>)
      tpu.yield
    }) : () -> ()
    %mul3A_15 = arith.constant 640 : i32
    %mul3A_16 = arith.muli %arg1, %mul3A_15 : i32
    %add3A_17 = arith.constant 256 : i32
    %add3A_18 = arith.addi %mul3A_16, %add3A_17 : i32
    "tpu.region"() ({
      %run_scoped3A = tpu.sem_alloc : memref<!tpu.dma_semaphore, #tpu.memory_space<semaphore_mem>>
      %dma_start3A = arith.constant 0 : i32
      %dma_start3A_81 = arith.constant 0 : i32
      %dma_start3A_82 = tpu.memref_slice %arg13[%dma_start3A, %dma_start3A_81] : memref<256x128xf32, #tpu.memory_space<vmem>> -> memref<128x128xf32, #tpu.memory_space<vmem>>
      %dma_start3A_83 = arith.constant 0 : i32
      %dma_start3A_84 = tpu.memref_slice %arg16[%add3A_18, %dma_start3A_83] : memref<10240x128xf32, #tpu.memory_space<vmem_shared>> -> memref<128x128xf32, #tpu.memory_space<vmem_shared>>
      %dma_start3A_85 = arith.constant 0 : i32
      %dma_start3A_86 = tpu.memref_slice %arg16[%add3A_18, %dma_start3A_85] : memref<10240x128xf32, #tpu.memory_space<vmem_shared>> -> memref<128x128xf32, #tpu.memory_space<vmem_shared>>
      %dma_start3A_87 = arith.constant 0 : i32
      %dma_start3A_88 = arith.constant 0 : i32
      %dma_start3A_89 = tpu.memref_slice %arg13[%dma_start3A_87, %dma_start3A_88] : memref<256x128xf32, #tpu.memory_space<vmem>> -> memref<128x128xf32, #tpu.memory_space<vmem>>
      tpu.enqueue_dma source(%dma_start3A_89 : memref<128x128xf32, #tpu.memory_space<vmem>>) target(%dma_start3A_86 : memref<128x128xf32, #tpu.memory_space<vmem_shared>>) target_semaphore(%run_scoped3A : memref<!tpu.dma_semaphore, #tpu.memory_space<semaphore_mem>>)
      %dma_wait3A = arith.constant 0 : i32
      %dma_wait3A_90 = arith.constant 0 : i32
      %dma_wait3A_91 = tpu.memref_slice %arg13[%dma_wait3A, %dma_wait3A_90] : memref<256x128xf32, #tpu.memory_space<vmem>> -> memref<128x128xf32, #tpu.memory_space<vmem>>
      %dma_wait3A_92 = arith.constant 0 : i32
      %dma_wait3A_93 = tpu.memref_slice %arg16[%add3A_18, %dma_wait3A_92] : memref<10240x128xf32, #tpu.memory_space<vmem_shared>> -> memref<128x128xf32, #tpu.memory_space<vmem_shared>>
      %dma_wait3A_94 = arith.constant 0 : i32
      %dma_wait3A_95 = tpu.memref_slice %arg16[%add3A_18, %dma_wait3A_94] : memref<10240x128xf32, #tpu.memory_space<vmem_shared>> -> memref<128x128xf32, #tpu.memory_space<vmem_shared>>
      %dma_wait3A_96 = arith.constant 0 : i32
      %dma_wait3A_97 = arith.constant 0 : i32
      %dma_wait3A_98 = tpu.memref_slice %arg13[%dma_wait3A_96, %dma_wait3A_97] : memref<256x128xf32, #tpu.memory_space<vmem>> -> memref<128x128xf32, #tpu.memory_space<vmem>>
      tpu.wait_dma2 semaphore(%run_scoped3A : memref<!tpu.dma_semaphore, #tpu.memory_space<semaphore_mem>>) src(%dma_wait3A_98 : memref<128x128xf32, #tpu.memory_space<vmem>>) dst(%dma_wait3A_95 : memref<128x128xf32, #tpu.memory_space<vmem_shared>>)
      tpu.yield
    }) : () -> ()
    %mul3A_19 = arith.constant 640 : i32
    %mul3A_20 = arith.muli %arg1, %mul3A_19 : i32
    %add3A_21 = arith.constant 384 : i32
    %add3A_22 = arith.addi %mul3A_20, %add3A_21 : i32
    "tpu.region"() ({
      %run_scoped3A = tpu.sem_alloc : memref<!tpu.dma_semaphore, #tpu.memory_space<semaphore_mem>>
      %dma_start3A = arith.constant 0 : i32
      %dma_start3A_81 = arith.constant 0 : i32
      %dma_start3A_82 = tpu.memref_slice %arg13[%dma_start3A, %dma_start3A_81] : memref<256x128xf32, #tpu.memory_space<vmem>> -> memref<128x128xf32, #tpu.memory_space<vmem>>
      %dma_start3A_83 = arith.constant 0 : i32
      %dma_start3A_84 = tpu.memref_slice %arg16[%add3A_22, %dma_start3A_83] : memref<10240x128xf32, #tpu.memory_space<vmem_shared>> -> memref<128x128xf32, #tpu.memory_space<vmem_shared>>
      %dma_start3A_85 = arith.constant 0 : i32
      %dma_start3A_86 = tpu.memref_slice %arg16[%add3A_22, %dma_start3A_85] : memref<10240x128xf32, #tpu.memory_space<vmem_shared>> -> memref<128x128xf32, #tpu.memory_space<vmem_shared>>
      %dma_start3A_87 = arith.constant 0 : i32
      %dma_start3A_88 = arith.constant 0 : i32
      %dma_start3A_89 = tpu.memref_slice %arg13[%dma_start3A_87, %dma_start3A_88] : memref<256x128xf32, #tpu.memory_space<vmem>> -> memref<128x128xf32, #tpu.memory_space<vmem>>
      tpu.enqueue_dma source(%dma_start3A_89 : memref<128x128xf32, #tpu.memory_space<vmem>>) target(%dma_start3A_86 : memref<128x128xf32, #tpu.memory_space<vmem_shared>>) target_semaphore(%run_scoped3A : memref<!tpu.dma_semaphore, #tpu.memory_space<semaphore_mem>>)
      %dma_wait3A = arith.constant 0 : i32
      %dma_wait3A_90 = arith.constant 0 : i32
      %dma_wait3A_91 = tpu.memref_slice %arg13[%dma_wait3A, %dma_wait3A_90] : memref<256x128xf32, #tpu.memory_space<vmem>> -> memref<128x128xf32, #tpu.memory_space<vmem>>
      %dma_wait3A_92 = arith.constant 0 : i32
      %dma_wait3A_93 = tpu.memref_slice %arg16[%add3A_22, %dma_wait3A_92] : memref<10240x128xf32, #tpu.memory_space<vmem_shared>> -> memref<128x128xf32, #tpu.memory_space<vmem_shared>>
      %dma_wait3A_94 = arith.constant 0 : i32
      %dma_wait3A_95 = tpu.memref_slice %arg16[%add3A_22, %dma_wait3A_94] : memref<10240x128xf32, #tpu.memory_space<vmem_shared>> -> memref<128x128xf32, #tpu.memory_space<vmem_shared>>
      %dma_wait3A_96 = arith.constant 0 : i32
      %dma_wait3A_97 = arith.constant 0 : i32
      %dma_wait3A_98 = tpu.memref_slice %arg13[%dma_wait3A_96, %dma_wait3A_97] : memref<256x128xf32, #tpu.memory_space<vmem>> -> memref<128x128xf32, #tpu.memory_space<vmem>>
      tpu.wait_dma2 semaphore(%run_scoped3A : memref<!tpu.dma_semaphore, #tpu.memory_space<semaphore_mem>>) src(%dma_wait3A_98 : memref<128x128xf32, #tpu.memory_space<vmem>>) dst(%dma_wait3A_95 : memref<128x128xf32, #tpu.memory_space<vmem_shared>>)
      tpu.yield
    }) : () -> ()
    %mul3A_23 = arith.constant 640 : i32
    %mul3A_24 = arith.muli %arg1, %mul3A_23 : i32
    %add3A_25 = arith.constant 512 : i32
    %add3A_26 = arith.addi %mul3A_24, %add3A_25 : i32
    "tpu.region"() ({
      %run_scoped3A = tpu.sem_alloc : memref<!tpu.dma_semaphore, #tpu.memory_space<semaphore_mem>>
      %dma_start3A = arith.constant 0 : i32
      %dma_start3A_81 = arith.constant 0 : i32
      %dma_start3A_82 = tpu.memref_slice %arg13[%dma_start3A, %dma_start3A_81] : memref<256x128xf32, #tpu.memory_space<vmem>> -> memref<128x128xf32, #tpu.memory_space<vmem>>
      %dma_start3A_83 = arith.constant 0 : i32
      %dma_start3A_84 = tpu.memref_slice %arg16[%add3A_26, %dma_start3A_83] : memref<10240x128xf32, #tpu.memory_space<vmem_shared>> -> memref<128x128xf32, #tpu.memory_space<vmem_shared>>
      %dma_start3A_85 = arith.constant 0 : i32
      %dma_start3A_86 = tpu.memref_slice %arg16[%add3A_26, %dma_start3A_85] : memref<10240x128xf32, #tpu.memory_space<vmem_shared>> -> memref<128x128xf32, #tpu.memory_space<vmem_shared>>
      %dma_start3A_87 = arith.constant 0 : i32
      %dma_start3A_88 = arith.constant 0 : i32
      %dma_start3A_89 = tpu.memref_slice %arg13[%dma_start3A_87, %dma_start3A_88] : memref<256x128xf32, #tpu.memory_space<vmem>> -> memref<128x128xf32, #tpu.memory_space<vmem>>
      tpu.enqueue_dma source(%dma_start3A_89 : memref<128x128xf32, #tpu.memory_space<vmem>>) target(%dma_start3A_86 : memref<128x128xf32, #tpu.memory_space<vmem_shared>>) target_semaphore(%run_scoped3A : memref<!tpu.dma_semaphore, #tpu.memory_space<semaphore_mem>>)
      %dma_wait3A = arith.constant 0 : i32
      %dma_wait3A_90 = arith.constant 0 : i32
      %dma_wait3A_91 = tpu.memref_slice %arg13[%dma_wait3A, %dma_wait3A_90] : memref<256x128xf32, #tpu.memory_space<vmem>> -> memref<128x128xf32, #tpu.memory_space<vmem>>
      %dma_wait3A_92 = arith.constant 0 : i32
      %dma_wait3A_93 = tpu.memref_slice %arg16[%add3A_26, %dma_wait3A_92] : memref<10240x128xf32, #tpu.memory_space<vmem_shared>> -> memref<128x128xf32, #tpu.memory_space<vmem_shared>>
      %dma_wait3A_94 = arith.constant 0 : i32
      %dma_wait3A_95 = tpu.memref_slice %arg16[%add3A_26, %dma_wait3A_94] : memref<10240x128xf32, #tpu.memory_space<vmem_shared>> -> memref<128x128xf32, #tpu.memory_space<vmem_shared>>
      %dma_wait3A_96 = arith.constant 0 : i32
      %dma_wait3A_97 = arith.constant 0 : i32
      %dma_wait3A_98 = tpu.memref_slice %arg13[%dma_wait3A_96, %dma_wait3A_97] : memref<256x128xf32, #tpu.memory_space<vmem>> -> memref<128x128xf32, #tpu.memory_space<vmem>>
      tpu.wait_dma2 semaphore(%run_scoped3A : memref<!tpu.dma_semaphore, #tpu.memory_space<semaphore_mem>>) src(%dma_wait3A_98 : memref<128x128xf32, #tpu.memory_space<vmem>>) dst(%dma_wait3A_95 : memref<128x128xf32, #tpu.memory_space<vmem_shared>>)
      tpu.yield
    }) : () -> ()
    %scan3A_27 = arith.constant 0 : i32
    %scan3A_28 = arith.constant 0 : i32
    %scan3A_29 = arith.constant 80 : i32
    %scan3A_30 = arith.addi %scan3A_28, %scan3A_29 : i32
    %scan3A_31 = arith.constant 1 : i32
    %scan3A_32 = scf.for %scan3A_81 = %scan3A_28 to %scan3A_30 step %scan3A_31 iter_args(%scan3A_82 = %scan3A_27) -> (i32)  : i32 {
      %broadcast_in_dim3A = arith.constant 0.000000e+00 : f32
      %broadcast_in_dim3A_83 = vector.broadcast %broadcast_in_dim3A : f32 to vector<16xf32>
      %swap3A_84 = arith.index_cast %scan3A_81 : i32 to index
      %swap3A_85 = arith.constant 0 : index
      %swap3A_86 = tpu.vector_load %arg14[%swap3A_84, %swap3A_85] {strides = array<i32>} : memref<80x128xf32, #tpu.memory_space<vmem>>, vector<16xf32>,
      tpu.vector_store %arg14[%swap3A_84, %swap3A_85], %broadcast_in_dim3A_83 {strides = array<i32>} : memref<80x128xf32, #tpu.memory_space<vmem>>, vector<16xf32>,
      %broadcast_in_dim3A_87 = arith.constant 0.000000e+00 : f32
      %broadcast_in_dim3A_88 = vector.broadcast %broadcast_in_dim3A_87 : f32 to vector<16xf32>
      %swap3A_89 = arith.index_cast %scan3A_81 : i32 to index
      %swap3A_90 = arith.constant 16 : index
      %swap3A_91 = tpu.vector_load %arg14[%swap3A_89, %swap3A_90] {strides = array<i32>} : memref<80x128xf32, #tpu.memory_space<vmem>>, vector<16xf32>,
      tpu.vector_store %arg14[%swap3A_89, %swap3A_90], %broadcast_in_dim3A_88 {strides = array<i32>} : memref<80x128xf32, #tpu.memory_space<vmem>>, vector<16xf32>,
      %broadcast_in_dim3A_92 = arith.constant 0.000000e+00 : f32
      %broadcast_in_dim3A_93 = vector.broadcast %broadcast_in_dim3A_92 : f32 to vector<16xf32>
      %swap3A_94 = arith.index_cast %scan3A_81 : i32 to index
      %swap3A_95 = arith.constant 32 : index
      %swap3A_96 = tpu.vector_load %arg14[%swap3A_94, %swap3A_95] {strides = array<i32>} : memref<80x128xf32, #tpu.memory_space<vmem>>, vector<16xf32>,
      tpu.vector_store %arg14[%swap3A_94, %swap3A_95], %broadcast_in_dim3A_93 {strides = array<i32>} : memref<80x128xf32, #tpu.memory_space<vmem>>, vector<16xf32>,
      %broadcast_in_dim3A_97 = arith.constant 0.000000e+00 : f32
      %broadcast_in_dim3A_98 = vector.broadcast %broadcast_in_dim3A_97 : f32 to vector<16xf32>
      %swap3A_99 = arith.index_cast %scan3A_81 : i32 to index
      %swap3A_100 = arith.constant 48 : index
      %swap3A_101 = tpu.vector_load %arg14[%swap3A_99, %swap3A_100] {strides = array<i32>} : memref<80x128xf32, #tpu.memory_space<vmem>>, vector<16xf32>,
      tpu.vector_store %arg14[%swap3A_99, %swap3A_100], %broadcast_in_dim3A_98 {strides = array<i32>} : memref<80x128xf32, #tpu.memory_space<vmem>>, vector<16xf32>,
      %broadcast_in_dim3A_102 = arith.constant 0.000000e+00 : f32
      %broadcast_in_dim3A_103 = vector.broadcast %broadcast_in_dim3A_102 : f32 to vector<16xf32>
      %swap3A_104 = arith.index_cast %scan3A_81 : i32 to index
      %swap3A_105 = arith.constant 64 : index
      %swap3A_106 = tpu.vector_load %arg14[%swap3A_104, %swap3A_105] {strides = array<i32>} : memref<80x128xf32, #tpu.memory_space<vmem>>, vector<16xf32>,
      tpu.vector_store %arg14[%swap3A_104, %swap3A_105], %broadcast_in_dim3A_103 {strides = array<i32>} : memref<80x128xf32, #tpu.memory_space<vmem>>, vector<16xf32>,
      %broadcast_in_dim3A_107 = arith.constant 0.000000e+00 : f32
      %broadcast_in_dim3A_108 = vector.broadcast %broadcast_in_dim3A_107 : f32 to vector<16xf32>
      %swap3A_109 = arith.index_cast %scan3A_81 : i32 to index
      %swap3A_110 = arith.constant 80 : index
      %swap3A_111 = tpu.vector_load %arg14[%swap3A_109, %swap3A_110] {strides = array<i32>} : memref<80x128xf32, #tpu.memory_space<vmem>>, vector<16xf32>,
      tpu.vector_store %arg14[%swap3A_109, %swap3A_110], %broadcast_in_dim3A_108 {strides = array<i32>} : memref<80x128xf32, #tpu.memory_space<vmem>>, vector<16xf32>,
      %broadcast_in_dim3A_112 = arith.constant 0.000000e+00 : f32
      %broadcast_in_dim3A_113 = vector.broadcast %broadcast_in_dim3A_112 : f32 to vector<16xf32>
      %swap3A_114 = arith.index_cast %scan3A_81 : i32 to index
      %swap3A_115 = arith.constant 96 : index
      %swap3A_116 = tpu.vector_load %arg14[%swap3A_114, %swap3A_115] {strides = array<i32>} : memref<80x128xf32, #tpu.memory_space<vmem>>, vector<16xf32>,
      tpu.vector_store %arg14[%swap3A_114, %swap3A_115], %broadcast_in_dim3A_113 {strides = array<i32>} : memref<80x128xf32, #tpu.memory_space<vmem>>, vector<16xf32>,
      %broadcast_in_dim3A_117 = arith.constant 0.000000e+00 : f32
      %broadcast_in_dim3A_118 = vector.broadcast %broadcast_in_dim3A_117 : f32 to vector<16xf32>
      %swap3A_119 = arith.index_cast %scan3A_81 : i32 to index
      %swap3A_120 = arith.constant 112 : index
      %swap3A_121 = tpu.vector_load %arg14[%swap3A_119, %swap3A_120] {strides = array<i32>} : memref<80x128xf32, #tpu.memory_space<vmem>>, vector<16xf32>,
      tpu.vector_store %arg14[%swap3A_119, %swap3A_120], %broadcast_in_dim3A_118 {strides = array<i32>} : memref<80x128xf32, #tpu.memory_space<vmem>>, vector<16xf32>,
      %scan3A_122 = arith.constant 0 : i32
      scf.yield %scan3A_122 : i32
    }
    %scan3A_33 = arith.constant 80 : i32
    %iota3A = tpu.iota {dimensions = array<i32: 0>} : vector<16xi32>
    %add3A_34 = arith.constant 0 : i32
    %add3A_35 = vector.broadcast %add3A_34 : i32 to vector<16xi32>
    %add3A_36 = arith.addi %iota3A, %add3A_35 : vector<16xi32>
    %swap3A = arith.constant 0 : index
    %swap3A_37 = tpu.vector_load %arg15[%swap3A] {strides = array<i32>} : memref<80xi32, #tpu.memory_space<vmem>>, vector<16xi32>,
    tpu.vector_store %arg15[%swap3A], %add3A_36 {strides = array<i32>} : memref<80xi32, #tpu.memory_space<vmem>>, vector<16xi32>,
    %iota3A_38 = tpu.iota {dimensions = array<i32: 0>} : vector<16xi32>
    %add3A_39 = arith.constant 16 : i32
    %add3A_40 = vector.broadcast %add3A_39 : i32 to vector<16xi32>
    %add3A_41 = arith.addi %iota3A_38, %add3A_40 : vector<16xi32>
    %swap3A_42 = arith.constant 16 : index
    %swap3A_43 = tpu.vector_load %arg15[%swap3A_42] {strides = array<i32>} : memref<80xi32, #tpu.memory_space<vmem>>, vector<16xi32>,
    tpu.vector_store %arg15[%swap3A_42], %add3A_41 {strides = array<i32>} : memref<80xi32, #tpu.memory_space<vmem>>, vector<16xi32>,
    %iota3A_44 = tpu.iota {dimensions = array<i32: 0>} : vector<16xi32>
    %add3A_45 = arith.constant 32 : i32
    %add3A_46 = vector.broadcast %add3A_45 : i32 to vector<16xi32>
    %add3A_47 = arith.addi %iota3A_44, %add3A_46 : vector<16xi32>
    %swap3A_48 = arith.constant 32 : index
    %swap3A_49 = tpu.vector_load %arg15[%swap3A_48] {strides = array<i32>} : memref<80xi32, #tpu.memory_space<vmem>>, vector<16xi32>,
    tpu.vector_store %arg15[%swap3A_48], %add3A_47 {strides = array<i32>} : memref<80xi32, #tpu.memory_space<vmem>>, vector<16xi32>,
    %iota3A_50 = tpu.iota {dimensions = array<i32: 0>} : vector<16xi32>
    %add3A_51 = arith.constant 48 : i32
    %add3A_52 = vector.broadcast %add3A_51 : i32 to vector<16xi32>
    %add3A_53 = arith.addi %iota3A_50, %add3A_52 : vector<16xi32>
    %swap3A_54 = arith.constant 48 : index
    %swap3A_55 = tpu.vector_load %arg15[%swap3A_54] {strides = array<i32>} : memref<80xi32, #tpu.memory_space<vmem>>, vector<16xi32>,
    tpu.vector_store %arg15[%swap3A_54], %add3A_53 {strides = array<i32>} : memref<80xi32, #tpu.memory_space<vmem>>, vector<16xi32>,
    %iota3A_56 = tpu.iota {dimensions = array<i32: 0>} : vector<16xi32>
    %add3A_57 = arith.constant 64 : i32
    %add3A_58 = vector.broadcast %add3A_57 : i32 to vector<16xi32>
    %add3A_59 = arith.addi %iota3A_56, %add3A_58 : vector<16xi32>
    %swap3A_60 = arith.constant 64 : index
    %swap3A_61 = tpu.vector_load %arg15[%swap3A_60] {strides = array<i32>} : memref<80xi32, #tpu.memory_space<vmem>>, vector<16xi32>,
    tpu.vector_store %arg15[%swap3A_60], %add3A_59 {strides = array<i32>} : memref<80xi32, #tpu.memory_space<vmem>>, vector<16xi32>,
    %eq3A = arith.constant 0 : i32
    %eq3A_62 = arith.cmpi eq, %arg1, %eq3A : i32
    %convert_element_type3A = arith.extui %eq3A_62 : i1 to i32
    %cond3A = arith.constant 0 : i32
    %cond3A_63 = arith.cmpi ne, %convert_element_type3A, %cond3A : i32
    scf.if %cond3A_63 {
      "tpu.region"() ({
        %run_scoped3A = tpu.sem_alloc : memref<!tpu.dma_semaphore, #tpu.memory_space<semaphore_mem>>
        %dma_start3A = arith.constant 0 : i32
        %dma_start3A_81 = arith.constant 0 : i32
        %dma_start3A_82 = tpu.memref_slice %arg13[%dma_start3A, %dma_start3A_81] : memref<256x128xf32, #tpu.memory_space<vmem>> -> memref<80x128xf32, #tpu.memory_space<vmem>>
        %dma_start3A_83 = arith.constant 0 : i32
        %dma_start3A_84 = arith.constant 0 : i32
        %dma_start3A_85 = tpu.memref_slice %arg13[%dma_start3A_83, %dma_start3A_84] : memref<256x128xf32, #tpu.memory_space<vmem>> -> memref<80x128xf32, #tpu.memory_space<vmem>>
        tpu.enqueue_dma source(%dma_start3A_85 : memref<80x128xf32, #tpu.memory_space<vmem>>) target(%arg17 : memref<80x128xf32, #tpu.memory_space<vmem_shared>>) target_semaphore(%run_scoped3A : memref<!tpu.dma_semaphore, #tpu.memory_space<semaphore_mem>>)
        %dma_wait3A = arith.constant 0 : i32
        %dma_wait3A_86 = arith.constant 0 : i32
        %dma_wait3A_87 = tpu.memref_slice %arg13[%dma_wait3A, %dma_wait3A_86] : memref<256x128xf32, #tpu.memory_space<vmem>> -> memref<80x128xf32, #tpu.memory_space<vmem>>
        %dma_wait3A_88 = arith.constant 0 : i32
        %dma_wait3A_89 = arith.constant 0 : i32
        %dma_wait3A_90 = tpu.memref_slice %arg13[%dma_wait3A_88, %dma_wait3A_89] : memref<256x128xf32, #tpu.memory_space<vmem>> -> memref<80x128xf32, #tpu.memory_space<vmem>>
        tpu.wait_dma2 semaphore(%run_scoped3A : memref<!tpu.dma_semaphore, #tpu.memory_space<semaphore_mem>>) src(%dma_wait3A_90 : memref<80x128xf32, #tpu.memory_space<vmem>>) dst(%arg17 : memref<80x128xf32, #tpu.memory_space<vmem_shared>>)
        tpu.yield
      }) : () -> ()
    } else {
    }
    %barrier3A = arith.constant 0 : index
    tpu.barrier barrier_id(%barrier3A)
    %scan3A_64 = arith.constant 0 : i32
    %scan3A_65 = arith.constant 0 : i32
    %scan3A_66 = arith.constant 20 : i32
    %scan3A_67 = arith.addi %scan3A_65, %scan3A_66 : i32
    %scan3A_68 = arith.constant 1 : i32
    %scan3A_69 = scf.for %scan3A_81 = %scan3A_65 to %scan3A_67 step %scan3A_68 iter_args(%scan3A_82 = %scan3A_64) -> (i32)  : i32 {
      %mul3A_83 = arith.constant 5120 : i32
      %mul3A_84 = arith.muli %add3A, %mul3A_83 : i32
      %mul3A_85 = arith.constant 256 : i32
      %mul3A_86 = arith.muli %scan3A_81, %mul3A_85 : i32
      %add3A_87 = arith.addi %mul3A_84, %mul3A_86 : i32
      %add3A_88 = arith.constant 0 : i32
      %add3A_89 = arith.addi %add3A_87, %add3A_88 : i32
      %run_scoped3A = arith.constant 0 : i32
      "tpu.region"() ({
        %run_scoped3A_379 = tpu.sem_alloc : memref<!tpu.dma_semaphore, #tpu.memory_space<semaphore_mem>>
        %dma_start3A_380 = arith.constant 0 : i32
        %dma_start3A_381 = tpu.memref_slice %arg9[%run_scoped3A, %dma_start3A_380] : memref<2x128xi32, #tpu.memory_space<vmem>> -> memref<1x128xi32, #tpu.memory_space<vmem>>
        %dma_start3A_382 = tpu.memref_squeeze %dma_start3A_381 : memref<1x128xi32, #tpu.memory_space<vmem>> -> memref<128xi32, #tpu.memory_space<vmem>>
        %dma_start3A_383 = tpu.memref_slice %arg5[%add3A_89] : memref<163840xi32, #tpu.memory_space<hbm>> -> memref<128xi32, #tpu.memory_space<hbm>>
        %dma_start3A_384 = arith.constant 0 : i32
        %dma_start3A_385 = tpu.memref_slice %arg9[%run_scoped3A, %dma_start3A_384] : memref<2x128xi32, #tpu.memory_space<vmem>> -> memref<1x128xi32, #tpu.memory_space<vmem>>
        %dma_start3A_386 = tpu.memref_squeeze %dma_start3A_385 : memref<1x128xi32, #tpu.memory_space<vmem>> -> memref<128xi32, #tpu.memory_space<vmem>>
        %dma_start3A_387 = tpu.memref_slice %arg5[%add3A_89] : memref<163840xi32, #tpu.memory_space<hbm>> -> memref<128xi32, #tpu.memory_space<hbm>>
        tpu.enqueue_dma source(%dma_start3A_387 : memref<128xi32, #tpu.memory_space<hbm>>) target(%dma_start3A_386 : memref<128xi32, #tpu.memory_space<vmem>>) target_semaphore(%run_scoped3A_379 : memref<!tpu.dma_semaphore, #tpu.memory_space<semaphore_mem>>)
        %dma_wait3A_388 = arith.constant 0 : i32
        %dma_wait3A_389 = tpu.memref_slice %arg9[%run_scoped3A, %dma_wait3A_388] : memref<2x128xi32, #tpu.memory_space<vmem>> -> memref<1x128xi32, #tpu.memory_space<vmem>>
        %dma_wait3A_390 = tpu.memref_squeeze %dma_wait3A_389 : memref<1x128xi32, #tpu.memory_space<vmem>> -> memref<128xi32, #tpu.memory_space<vmem>>
        %dma_wait3A_391 = tpu.memref_slice %arg5[%add3A_89] : memref<163840xi32, #tpu.memory_space<hbm>> -> memref<128xi32, #tpu.memory_space<hbm>>
        %dma_wait3A_392 = arith.constant 0 : i32
        %dma_wait3A_393 = tpu.memref_slice %arg9[%run_scoped3A, %dma_wait3A_392] : memref<2x128xi32, #tpu.memory_space<vmem>> -> memref<1x128xi32, #tpu.memory_space<vmem>>
        %dma_wait3A_394 = tpu.memref_squeeze %dma_wait3A_393 : memref<1x128xi32, #tpu.memory_space<vmem>> -> memref<128xi32, #tpu.memory_space<vmem>>
        %dma_wait3A_395 = tpu.memref_slice %arg5[%add3A_89] : memref<163840xi32, #tpu.memory_space<hbm>> -> memref<128xi32, #tpu.memory_space<hbm>>
        tpu.wait_dma2 semaphore(%run_scoped3A_379 : memref<!tpu.dma_semaphore, #tpu.memory_space<semaphore_mem>>) src(%dma_wait3A_395 : memref<128xi32, #tpu.memory_space<hbm>>) dst(%dma_wait3A_394 : memref<128xi32, #tpu.memory_space<vmem>>)
        tpu.yield
      }) : () -> ()
      %run_scoped3A_90 = arith.constant 0 : i32
      "tpu.region"() ({
        %run_scoped3A_379 = tpu.sem_alloc : memref<!tpu.dma_semaphore, #tpu.memory_space<semaphore_mem>>
        %dma_start3A_380 = arith.constant 0 : i32
        %dma_start3A_381 = tpu.memref_slice %arg10[%run_scoped3A_90, %dma_start3A_380] : memref<2x128xi32, #tpu.memory_space<vmem>> -> memref<1x128xi32, #tpu.memory_space<vmem>>
        %dma_start3A_382 = tpu.memref_squeeze %dma_start3A_381 : memref<1x128xi32, #tpu.memory_space<vmem>> -> memref<128xi32, #tpu.memory_space<vmem>>
        %dma_start3A_383 = tpu.memref_slice %arg4[%add3A_89] : memref<163840xi32, #tpu.memory_space<hbm>> -> memref<128xi32, #tpu.memory_space<hbm>>
        %dma_start3A_384 = arith.constant 0 : i32
        %dma_start3A_385 = tpu.memref_slice %arg10[%run_scoped3A_90, %dma_start3A_384] : memref<2x128xi32, #tpu.memory_space<vmem>> -> memref<1x128xi32, #tpu.memory_space<vmem>>
        %dma_start3A_386 = tpu.memref_squeeze %dma_start3A_385 : memref<1x128xi32, #tpu.memory_space<vmem>> -> memref<128xi32, #tpu.memory_space<vmem>>
        %dma_start3A_387 = tpu.memref_slice %arg4[%add3A_89] : memref<163840xi32, #tpu.memory_space<hbm>> -> memref<128xi32, #tpu.memory_space<hbm>>
        tpu.enqueue_dma source(%dma_start3A_387 : memref<128xi32, #tpu.memory_space<hbm>>) target(%dma_start3A_386 : memref<128xi32, #tpu.memory_space<vmem>>) target_semaphore(%run_scoped3A_379 : memref<!tpu.dma_semaphore, #tpu.memory_space<semaphore_mem>>)
        %dma_wait3A_388 = arith.constant 0 : i32
        %dma_wait3A_389 = tpu.memref_slice %arg10[%run_scoped3A_90, %dma_wait3A_388] : memref<2x128xi32, #tpu.memory_space<vmem>> -> memref<1x128xi32, #tpu.memory_space<vmem>>
        %dma_wait3A_390 = tpu.memref_squeeze %dma_wait3A_389 : memref<1x128xi32, #tpu.memory_space<vmem>> -> memref<128xi32, #tpu.memory_space<vmem>>
        %dma_wait3A_391 = tpu.memref_slice %arg4[%add3A_89] : memref<163840xi32, #tpu.memory_space<hbm>> -> memref<128xi32, #tpu.memory_space<hbm>>
        %dma_wait3A_392 = arith.constant 0 : i32
        %dma_wait3A_393 = tpu.memref_slice %arg10[%run_scoped3A_90, %dma_wait3A_392] : memref<2x128xi32, #tpu.memory_space<vmem>> -> memref<1x128xi32, #tpu.memory_space<vmem>>
        %dma_wait3A_394 = tpu.memref_squeeze %dma_wait3A_393 : memref<1x128xi32, #tpu.memory_space<vmem>> -> memref<128xi32, #tpu.memory_space<vmem>>
        %dma_wait3A_395 = tpu.memref_slice %arg4[%add3A_89] : memref<163840xi32, #tpu.memory_space<hbm>> -> memref<128xi32, #tpu.memory_space<hbm>>
        tpu.wait_dma2 semaphore(%run_scoped3A_379 : memref<!tpu.dma_semaphore, #tpu.memory_space<semaphore_mem>>) src(%dma_wait3A_395 : memref<128xi32, #tpu.memory_space<hbm>>) dst(%dma_wait3A_394 : memref<128xi32, #tpu.memory_space<vmem>>)
        tpu.yield
      }) : () -> ()
      %run_scoped3A_91 = arith.constant 0 : i32
      "tpu.region"() ({
        %run_scoped3A_379 = tpu.sem_alloc : memref<!tpu.dma_semaphore, #tpu.memory_space<semaphore_mem>>
        %dma_start3A_380 = arith.constant 0 : i32
        %dma_start3A_381 = tpu.memref_slice %arg11[%run_scoped3A_91, %dma_start3A_380] : memref<2x128xf32, #tpu.memory_space<vmem>> -> memref<1x128xf32, #tpu.memory_space<vmem>>
        %dma_start3A_382 = tpu.memref_squeeze %dma_start3A_381 : memref<1x128xf32, #tpu.memory_space<vmem>> -> memref<128xf32, #tpu.memory_space<vmem>>
        %dma_start3A_383 = tpu.memref_slice %arg2[%add3A_89] : memref<163840xf32, #tpu.memory_space<hbm>> -> memref<128xf32, #tpu.memory_space<hbm>>
        %dma_start3A_384 = arith.constant 0 : i32
        %dma_start3A_385 = tpu.memref_slice %arg11[%run_scoped3A_91, %dma_start3A_384] : memref<2x128xf32, #tpu.memory_space<vmem>> -> memref<1x128xf32, #tpu.memory_space<vmem>>
        %dma_start3A_386 = tpu.memref_squeeze %dma_start3A_385 : memref<1x128xf32, #tpu.memory_space<vmem>> -> memref<128xf32, #tpu.memory_space<vmem>>
        %dma_start3A_387 = tpu.memref_slice %arg2[%add3A_89] : memref<163840xf32, #tpu.memory_space<hbm>> -> memref<128xf32, #tpu.memory_space<hbm>>
        tpu.enqueue_dma source(%dma_start3A_387 : memref<128xf32, #tpu.memory_space<hbm>>) target(%dma_start3A_386 : memref<128xf32, #tpu.memory_space<vmem>>) target_semaphore(%run_scoped3A_379 : memref<!tpu.dma_semaphore, #tpu.memory_space<semaphore_mem>>)
        %dma_wait3A_388 = arith.constant 0 : i32
        %dma_wait3A_389 = tpu.memref_slice %arg11[%run_scoped3A_91, %dma_wait3A_388] : memref<2x128xf32, #tpu.memory_space<vmem>> -> memref<1x128xf32, #tpu.memory_space<vmem>>
        %dma_wait3A_390 = tpu.memref_squeeze %dma_wait3A_389 : memref<1x128xf32, #tpu.memory_space<vmem>> -> memref<128xf32, #tpu.memory_space<vmem>>
        %dma_wait3A_391 = tpu.memref_slice %arg2[%add3A_89] : memref<163840xf32, #tpu.memory_space<hbm>> -> memref<128xf32, #tpu.memory_space<hbm>>
        %dma_wait3A_392 = arith.constant 0 : i32
        %dma_wait3A_393 = tpu.memref_slice %arg11[%run_scoped3A_91, %dma_wait3A_392] : memref<2x128xf32, #tpu.memory_space<vmem>> -> memref<1x128xf32, #tpu.memory_space<vmem>>
        %dma_wait3A_394 = tpu.memref_squeeze %dma_wait3A_393 : memref<1x128xf32, #tpu.memory_space<vmem>> -> memref<128xf32, #tpu.memory_space<vmem>>
        %dma_wait3A_395 = tpu.memref_slice %arg2[%add3A_89] : memref<163840xf32, #tpu.memory_space<hbm>> -> memref<128xf32, #tpu.memory_space<hbm>>
        tpu.wait_dma2 semaphore(%run_scoped3A_379 : memref<!tpu.dma_semaphore, #tpu.memory_space<semaphore_mem>>) src(%dma_wait3A_395 : memref<128xf32, #tpu.memory_space<hbm>>) dst(%dma_wait3A_394 : memref<128xf32, #tpu.memory_space<vmem>>)
        tpu.yield
      }) : () -> ()
      %mul3A_92 = arith.constant 16 : i32
      %mul3A_93 = arith.muli %add3A_89, %mul3A_92 : i32
      %run_scoped3A_94 = arith.constant 0 : i32
      "tpu.region"() ({
        %run_scoped3A_379 = tpu.sem_alloc : memref<!tpu.dma_semaphore, #tpu.memory_space<semaphore_mem>>
        %dma_start3A_380 = arith.constant 0 : i32
        %dma_start3A_381 = tpu.memref_slice %arg12[%run_scoped3A_94, %dma_start3A_380] : memref<2x2048xf32, #tpu.memory_space<vmem>> -> memref<1x2048xf32, #tpu.memory_space<vmem>>
        %dma_start3A_382 = tpu.memref_squeeze %dma_start3A_381 : memref<1x2048xf32, #tpu.memory_space<vmem>> -> memref<2048xf32, #tpu.memory_space<vmem>>
        %dma_start3A_383 = tpu.memref_slice %arg3[%mul3A_93] : memref<2621440xf32, #tpu.memory_space<hbm>> -> memref<2048xf32, #tpu.memory_space<hbm>>
        %dma_start3A_384 = arith.constant 0 : i32
        %dma_start3A_385 = tpu.memref_slice %arg12[%run_scoped3A_94, %dma_start3A_384] : memref<2x2048xf32, #tpu.memory_space<vmem>> -> memref<1x2048xf32, #tpu.memory_space<vmem>>
        %dma_start3A_386 = tpu.memref_squeeze %dma_start3A_385 : memref<1x2048xf32, #tpu.memory_space<vmem>> -> memref<2048xf32, #tpu.memory_space<vmem>>
        %dma_start3A_387 = tpu.memref_slice %arg3[%mul3A_93] : memref<2621440xf32, #tpu.memory_space<hbm>> -> memref<2048xf32, #tpu.memory_space<hbm>>
        tpu.enqueue_dma source(%dma_start3A_387 : memref<2048xf32, #tpu.memory_space<hbm>>) target(%dma_start3A_386 : memref<2048xf32, #tpu.memory_space<vmem>>) target_semaphore(%run_scoped3A_379 : memref<!tpu.dma_semaphore, #tpu.memory_space<semaphore_mem>>)
        %dma_wait3A_388 = arith.constant 0 : i32
        %dma_wait3A_389 = tpu.memref_slice %arg12[%run_scoped3A_94, %dma_wait3A_388] : memref<2x2048xf32, #tpu.memory_space<vmem>> -> memref<1x2048xf32, #tpu.memory_space<vmem>>
        %dma_wait3A_390 = tpu.memref_squeeze %dma_wait3A_389 : memref<1x2048xf32, #tpu.memory_space<vmem>> -> memref<2048xf32, #tpu.memory_space<vmem>>
        %dma_wait3A_391 = tpu.memref_slice %arg3[%mul3A_93] : memref<2621440xf32, #tpu.memory_space<hbm>> -> memref<2048xf32, #tpu.memory_space<hbm>>
        %dma_wait3A_392 = arith.constant 0 : i32
        %dma_wait3A_393 = tpu.memref_slice %arg12[%run_scoped3A_94, %dma_wait3A_392] : memref<2x2048xf32, #tpu.memory_space<vmem>> -> memref<1x2048xf32, #tpu.memory_space<vmem>>
        %dma_wait3A_394 = tpu.memref_squeeze %dma_wait3A_393 : memref<1x2048xf32, #tpu.memory_space<vmem>> -> memref<2048xf32, #tpu.memory_space<vmem>>
        %dma_wait3A_395 = tpu.memref_slice %arg3[%mul3A_93] : memref<2621440xf32, #tpu.memory_space<hbm>> -> memref<2048xf32, #tpu.memory_space<hbm>>
        tpu.wait_dma2 semaphore(%run_scoped3A_379 : memref<!tpu.dma_semaphore, #tpu.memory_space<semaphore_mem>>) src(%dma_wait3A_395 : memref<2048xf32, #tpu.memory_space<hbm>>) dst(%dma_wait3A_394 : memref<2048xf32, #tpu.memory_space<vmem>>)
        tpu.yield
      }) : () -> ()
      %dma_start3A = arith.constant 0 : i32
      %dma_start3A_95 = arith.constant 0 : i32
      %dma_start3A_96 = arith.constant 0 : i32
      %dma_start3A_97 = tpu.memref_slice %arg13[%dma_start3A_95, %dma_start3A_96] : memref<256x128xf32, #tpu.memory_space<vmem>> -> memref<128x128xf32, #tpu.memory_space<vmem>>
      %dma_start3A_98 = arith.constant 0 : i32
      %dma_start3A_99 = tpu.memref_slice %arg9[%dma_start3A, %dma_start3A_98] : memref<2x128xi32, #tpu.memory_space<vmem>> -> memref<1x128xi32, #tpu.memory_space<vmem>>
      %dma_start3A_100 = tpu.memref_squeeze %dma_start3A_99 : memref<1x128xi32, #tpu.memory_space<vmem>> -> memref<128xi32, #tpu.memory_space<vmem>>
      %dma_start3A_101 = arith.constant 0 : i32
      %dma_start3A_102 = arith.constant 0 : i32
      %dma_start3A_103 = tpu.memref_slice %arg6[%dma_start3A_101, %dma_start3A_102] : memref<50000x128xf32, #tpu.memory_space<hbm>> -> memref<50000x128xf32, #tpu.memory_space<hbm>>
      tpu.enqueue_indirect_dma source(%dma_start3A_103 : memref<50000x128xf32, #tpu.memory_space<hbm>>) target(%dma_start3A_97 : memref<128x128xf32, #tpu.memory_space<vmem>>) offsets(%dma_start3A_100 : memref<128xi32, #tpu.memory_space<vmem>>) semaphore(%arg18 : memref<!tpu.dma_semaphore, #tpu.memory_space<semaphore_mem>>)
      %add3A_104 = arith.constant 128 : i32
      %add3A_105 = arith.addi %add3A_87, %add3A_104 : i32
      %run_scoped3A_106 = arith.constant 1 : i32
      "tpu.region"() ({
        %run_scoped3A_379 = tpu.sem_alloc : memref<!tpu.dma_semaphore, #tpu.memory_space<semaphore_mem>>
        %dma_start3A_380 = arith.constant 0 : i32
        %dma_start3A_381 = tpu.memref_slice %arg9[%run_scoped3A_106, %dma_start3A_380] : memref<2x128xi32, #tpu.memory_space<vmem>> -> memref<1x128xi32, #tpu.memory_space<vmem>>
        %dma_start3A_382 = tpu.memref_squeeze %dma_start3A_381 : memref<1x128xi32, #tpu.memory_space<vmem>> -> memref<128xi32, #tpu.memory_space<vmem>>
        %dma_start3A_383 = tpu.memref_slice %arg5[%add3A_105] : memref<163840xi32, #tpu.memory_space<hbm>> -> memref<128xi32, #tpu.memory_space<hbm>>
        %dma_start3A_384 = arith.constant 0 : i32
        %dma_start3A_385 = tpu.memref_slice %arg9[%run_scoped3A_106, %dma_start3A_384] : memref<2x128xi32, #tpu.memory_space<vmem>> -> memref<1x128xi32, #tpu.memory_space<vmem>>
        %dma_start3A_386 = tpu.memref_squeeze %dma_start3A_385 : memref<1x128xi32, #tpu.memory_space<vmem>> -> memref<128xi32, #tpu.memory_space<vmem>>
        %dma_start3A_387 = tpu.memref_slice %arg5[%add3A_105] : memref<163840xi32, #tpu.memory_space<hbm>> -> memref<128xi32, #tpu.memory_space<hbm>>
        tpu.enqueue_dma source(%dma_start3A_387 : memref<128xi32, #tpu.memory_space<hbm>>) target(%dma_start3A_386 : memref<128xi32, #tpu.memory_space<vmem>>) target_semaphore(%run_scoped3A_379 : memref<!tpu.dma_semaphore, #tpu.memory_space<semaphore_mem>>)
        %dma_wait3A_388 = arith.constant 0 : i32
        %dma_wait3A_389 = tpu.memref_slice %arg9[%run_scoped3A_106, %dma_wait3A_388] : memref<2x128xi32, #tpu.memory_space<vmem>> -> memref<1x128xi32, #tpu.memory_space<vmem>>
        %dma_wait3A_390 = tpu.memref_squeeze %dma_wait3A_389 : memref<1x128xi32, #tpu.memory_space<vmem>> -> memref<128xi32, #tpu.memory_space<vmem>>
        %dma_wait3A_391 = tpu.memref_slice %arg5[%add3A_105] : memref<163840xi32, #tpu.memory_space<hbm>> -> memref<128xi32, #tpu.memory_space<hbm>>
        %dma_wait3A_392 = arith.constant 0 : i32
        %dma_wait3A_393 = tpu.memref_slice %arg9[%run_scoped3A_106, %dma_wait3A_392] : memref<2x128xi32, #tpu.memory_space<vmem>> -> memref<1x128xi32, #tpu.memory_space<vmem>>
        %dma_wait3A_394 = tpu.memref_squeeze %dma_wait3A_393 : memref<1x128xi32, #tpu.memory_space<vmem>> -> memref<128xi32, #tpu.memory_space<vmem>>
        %dma_wait3A_395 = tpu.memref_slice %arg5[%add3A_105] : memref<163840xi32, #tpu.memory_space<hbm>> -> memref<128xi32, #tpu.memory_space<hbm>>
        tpu.wait_dma2 semaphore(%run_scoped3A_379 : memref<!tpu.dma_semaphore, #tpu.memory_space<semaphore_mem>>) src(%dma_wait3A_395 : memref<128xi32, #tpu.memory_space<hbm>>) dst(%dma_wait3A_394 : memref<128xi32, #tpu.memory_space<vmem>>)
        tpu.yield
      }) : () -> ()
      %run_scoped3A_107 = arith.constant 1 : i32
      "tpu.region"() ({
        %run_scoped3A_379 = tpu.sem_alloc : memref<!tpu.dma_semaphore, #tpu.memory_space<semaphore_mem>>
        %dma_start3A_380 = arith.constant 0 : i32
        %dma_start3A_381 = tpu.memref_slice %arg10[%run_scoped3A_107, %dma_start3A_380] : memref<2x128xi32, #tpu.memory_space<vmem>> -> memref<1x128xi32, #tpu.memory_space<vmem>>
        %dma_start3A_382 = tpu.memref_squeeze %dma_start3A_381 : memref<1x128xi32, #tpu.memory_space<vmem>> -> memref<128xi32, #tpu.memory_space<vmem>>
        %dma_start3A_383 = tpu.memref_slice %arg4[%add3A_105] : memref<163840xi32, #tpu.memory_space<hbm>> -> memref<128xi32, #tpu.memory_space<hbm>>
        %dma_start3A_384 = arith.constant 0 : i32
        %dma_start3A_385 = tpu.memref_slice %arg10[%run_scoped3A_107, %dma_start3A_384] : memref<2x128xi32, #tpu.memory_space<vmem>> -> memref<1x128xi32, #tpu.memory_space<vmem>>
        %dma_start3A_386 = tpu.memref_squeeze %dma_start3A_385 : memref<1x128xi32, #tpu.memory_space<vmem>> -> memref<128xi32, #tpu.memory_space<vmem>>
        %dma_start3A_387 = tpu.memref_slice %arg4[%add3A_105] : memref<163840xi32, #tpu.memory_space<hbm>> -> memref<128xi32, #tpu.memory_space<hbm>>
        tpu.enqueue_dma source(%dma_start3A_387 : memref<128xi32, #tpu.memory_space<hbm>>) target(%dma_start3A_386 : memref<128xi32, #tpu.memory_space<vmem>>) target_semaphore(%run_scoped3A_379 : memref<!tpu.dma_semaphore, #tpu.memory_space<semaphore_mem>>)
        %dma_wait3A_388 = arith.constant 0 : i32
        %dma_wait3A_389 = tpu.memref_slice %arg10[%run_scoped3A_107, %dma_wait3A_388] : memref<2x128xi32, #tpu.memory_space<vmem>> -> memref<1x128xi32, #tpu.memory_space<vmem>>
        %dma_wait3A_390 = tpu.memref_squeeze %dma_wait3A_389 : memref<1x128xi32, #tpu.memory_space<vmem>> -> memref<128xi32, #tpu.memory_space<vmem>>
        %dma_wait3A_391 = tpu.memref_slice %arg4[%add3A_105] : memref<163840xi32, #tpu.memory_space<hbm>> -> memref<128xi32, #tpu.memory_space<hbm>>
        %dma_wait3A_392 = arith.constant 0 : i32
        %dma_wait3A_393 = tpu.memref_slice %arg10[%run_scoped3A_107, %dma_wait3A_392] : memref<2x128xi32, #tpu.memory_space<vmem>> -> memref<1x128xi32, #tpu.memory_space<vmem>>
        %dma_wait3A_394 = tpu.memref_squeeze %dma_wait3A_393 : memref<1x128xi32, #tpu.memory_space<vmem>> -> memref<128xi32, #tpu.memory_space<vmem>>
        %dma_wait3A_395 = tpu.memref_slice %arg4[%add3A_105] : memref<163840xi32, #tpu.memory_space<hbm>> -> memref<128xi32, #tpu.memory_space<hbm>>
        tpu.wait_dma2 semaphore(%run_scoped3A_379 : memref<!tpu.dma_semaphore, #tpu.memory_space<semaphore_mem>>) src(%dma_wait3A_395 : memref<128xi32, #tpu.memory_space<hbm>>) dst(%dma_wait3A_394 : memref<128xi32, #tpu.memory_space<vmem>>)
        tpu.yield
      }) : () -> ()
      %run_scoped3A_108 = arith.constant 1 : i32
      "tpu.region"() ({
        %run_scoped3A_379 = tpu.sem_alloc : memref<!tpu.dma_semaphore, #tpu.memory_space<semaphore_mem>>
        %dma_start3A_380 = arith.constant 0 : i32
        %dma_start3A_381 = tpu.memref_slice %arg11[%run_scoped3A_108, %dma_start3A_380] : memref<2x128xf32, #tpu.memory_space<vmem>> -> memref<1x128xf32, #tpu.memory_space<vmem>>
        %dma_start3A_382 = tpu.memref_squeeze %dma_start3A_381 : memref<1x128xf32, #tpu.memory_space<vmem>> -> memref<128xf32, #tpu.memory_space<vmem>>
        %dma_start3A_383 = tpu.memref_slice %arg2[%add3A_105] : memref<163840xf32, #tpu.memory_space<hbm>> -> memref<128xf32, #tpu.memory_space<hbm>>
        %dma_start3A_384 = arith.constant 0 : i32
        %dma_start3A_385 = tpu.memref_slice %arg11[%run_scoped3A_108, %dma_start3A_384] : memref<2x128xf32, #tpu.memory_space<vmem>> -> memref<1x128xf32, #tpu.memory_space<vmem>>
        %dma_start3A_386 = tpu.memref_squeeze %dma_start3A_385 : memref<1x128xf32, #tpu.memory_space<vmem>> -> memref<128xf32, #tpu.memory_space<vmem>>
        %dma_start3A_387 = tpu.memref_slice %arg2[%add3A_105] : memref<163840xf32, #tpu.memory_space<hbm>> -> memref<128xf32, #tpu.memory_space<hbm>>
        tpu.enqueue_dma source(%dma_start3A_387 : memref<128xf32, #tpu.memory_space<hbm>>) target(%dma_start3A_386 : memref<128xf32, #tpu.memory_space<vmem>>) target_semaphore(%run_scoped3A_379 : memref<!tpu.dma_semaphore, #tpu.memory_space<semaphore_mem>>)
        %dma_wait3A_388 = arith.constant 0 : i32
        %dma_wait3A_389 = tpu.memref_slice %arg11[%run_scoped3A_108, %dma_wait3A_388] : memref<2x128xf32, #tpu.memory_space<vmem>> -> memref<1x128xf32, #tpu.memory_space<vmem>>
        %dma_wait3A_390 = tpu.memref_squeeze %dma_wait3A_389 : memref<1x128xf32, #tpu.memory_space<vmem>> -> memref<128xf32, #tpu.memory_space<vmem>>
        %dma_wait3A_391 = tpu.memref_slice %arg2[%add3A_105] : memref<163840xf32, #tpu.memory_space<hbm>> -> memref<128xf32, #tpu.memory_space<hbm>>
        %dma_wait3A_392 = arith.constant 0 : i32
        %dma_wait3A_393 = tpu.memref_slice %arg11[%run_scoped3A_108, %dma_wait3A_392] : memref<2x128xf32, #tpu.memory_space<vmem>> -> memref<1x128xf32, #tpu.memory_space<vmem>>
        %dma_wait3A_394 = tpu.memref_squeeze %dma_wait3A_393 : memref<1x128xf32, #tpu.memory_space<vmem>> -> memref<128xf32, #tpu.memory_space<vmem>>
        %dma_wait3A_395 = tpu.memref_slice %arg2[%add3A_105] : memref<163840xf32, #tpu.memory_space<hbm>> -> memref<128xf32, #tpu.memory_space<hbm>>
        tpu.wait_dma2 semaphore(%run_scoped3A_379 : memref<!tpu.dma_semaphore, #tpu.memory_space<semaphore_mem>>) src(%dma_wait3A_395 : memref<128xf32, #tpu.memory_space<hbm>>) dst(%dma_wait3A_394 : memref<128xf32, #tpu.memory_space<vmem>>)
        tpu.yield
      }) : () -> ()
      %mul3A_109 = arith.constant 16 : i32
      %mul3A_110 = arith.muli %add3A_105, %mul3A_109 : i32
      %run_scoped3A_111 = arith.constant 1 : i32
      "tpu.region"() ({
        %run_scoped3A_379 = tpu.sem_alloc : memref<!tpu.dma_semaphore, #tpu.memory_space<semaphore_mem>>
        %dma_start3A_380 = arith.constant 0 : i32
        %dma_start3A_381 = tpu.memref_slice %arg12[%run_scoped3A_111, %dma_start3A_380] : memref<2x2048xf32, #tpu.memory_space<vmem>> -> memref<1x2048xf32, #tpu.memory_space<vmem>>
        %dma_start3A_382 = tpu.memref_squeeze %dma_start3A_381 : memref<1x2048xf32, #tpu.memory_space<vmem>> -> memref<2048xf32, #tpu.memory_space<vmem>>
        %dma_start3A_383 = tpu.memref_slice %arg3[%mul3A_110] : memref<2621440xf32, #tpu.memory_space<hbm>> -> memref<2048xf32, #tpu.memory_space<hbm>>
        %dma_start3A_384 = arith.constant 0 : i32
        %dma_start3A_385 = tpu.memref_slice %arg12[%run_scoped3A_111, %dma_start3A_384] : memref<2x2048xf32, #tpu.memory_space<vmem>> -> memref<1x2048xf32, #tpu.memory_space<vmem>>
        %dma_start3A_386 = tpu.memref_squeeze %dma_start3A_385 : memref<1x2048xf32, #tpu.memory_space<vmem>> -> memref<2048xf32, #tpu.memory_space<vmem>>
        %dma_start3A_387 = tpu.memref_slice %arg3[%mul3A_110] : memref<2621440xf32, #tpu.memory_space<hbm>> -> memref<2048xf32, #tpu.memory_space<hbm>>
        tpu.enqueue_dma source(%dma_start3A_387 : memref<2048xf32, #tpu.memory_space<hbm>>) target(%dma_start3A_386 : memref<2048xf32, #tpu.memory_space<vmem>>) target_semaphore(%run_scoped3A_379 : memref<!tpu.dma_semaphore, #tpu.memory_space<semaphore_mem>>)
        %dma_wait3A_388 = arith.constant 0 : i32
        %dma_wait3A_389 = tpu.memref_slice %arg12[%run_scoped3A_111, %dma_wait3A_388] : memref<2x2048xf32, #tpu.memory_space<vmem>> -> memref<1x2048xf32, #tpu.memory_space<vmem>>
        %dma_wait3A_390 = tpu.memref_squeeze %dma_wait3A_389 : memref<1x2048xf32, #tpu.memory_space<vmem>> -> memref<2048xf32, #tpu.memory_space<vmem>>
        %dma_wait3A_391 = tpu.memref_slice %arg3[%mul3A_110] : memref<2621440xf32, #tpu.memory_space<hbm>> -> memref<2048xf32, #tpu.memory_space<hbm>>
        %dma_wait3A_392 = arith.constant 0 : i32
        %dma_wait3A_393 = tpu.memref_slice %arg12[%run_scoped3A_111, %dma_wait3A_392] : memref<2x2048xf32, #tpu.memory_space<vmem>> -> memref<1x2048xf32, #tpu.memory_space<vmem>>
        %dma_wait3A_394 = tpu.memref_squeeze %dma_wait3A_393 : memref<1x2048xf32, #tpu.memory_space<vmem>> -> memref<2048xf32, #tpu.memory_space<vmem>>
        %dma_wait3A_395 = tpu.memref_slice %arg3[%mul3A_110] : memref<2621440xf32, #tpu.memory_space<hbm>> -> memref<2048xf32, #tpu.memory_space<hbm>>
        tpu.wait_dma2 semaphore(%run_scoped3A_379 : memref<!tpu.dma_semaphore, #tpu.memory_space<semaphore_mem>>) src(%dma_wait3A_395 : memref<2048xf32, #tpu.memory_space<hbm>>) dst(%dma_wait3A_394 : memref<2048xf32, #tpu.memory_space<vmem>>)
        tpu.yield
      }) : () -> ()
      %dma_start3A_112 = arith.constant 1 : i32
      %dma_start3A_113 = arith.constant 128 : i32
      %dma_start3A_114 = arith.constant 0 : i32
      %dma_start3A_115 = tpu.memref_slice %arg13[%dma_start3A_113, %dma_start3A_114] : memref<256x128xf32, #tpu.memory_space<vmem>> -> memref<128x128xf32, #tpu.memory_space<vmem>>
      %dma_start3A_116 = arith.constant 0 : i32
      %dma_start3A_117 = tpu.memref_slice %arg9[%dma_start3A_112, %dma_start3A_116] : memref<2x128xi32, #tpu.memory_space<vmem>> -> memref<1x128xi32, #tpu.memory_space<vmem>>
      %dma_start3A_118 = tpu.memref_squeeze %dma_start3A_117 : memref<1x128xi32, #tpu.memory_space<vmem>> -> memref<128xi32, #tpu.memory_space<vmem>>
      %dma_start3A_119 = arith.constant 0 : i32
      %dma_start3A_120 = arith.constant 0 : i32
      %dma_start3A_121 = tpu.memref_slice %arg6[%dma_start3A_119, %dma_start3A_120] : memref<50000x128xf32, #tpu.memory_space<hbm>> -> memref<50000x128xf32, #tpu.memory_space<hbm>>
      tpu.enqueue_indirect_dma source(%dma_start3A_121 : memref<50000x128xf32, #tpu.memory_space<hbm>>) target(%dma_start3A_115 : memref<128x128xf32, #tpu.memory_space<vmem>>) offsets(%dma_start3A_118 : memref<128xi32, #tpu.memory_space<vmem>>) semaphore(%arg18 : memref<!tpu.dma_semaphore, #tpu.memory_space<semaphore_mem>>)
      %dma_wait3A = arith.constant 0 : i32
      %dma_wait3A_122 = arith.constant 0 : i32
      %dma_wait3A_123 = arith.constant 0 : i32
      %dma_wait3A_124 = tpu.memref_slice %arg13[%dma_wait3A_122, %dma_wait3A_123] : memref<256x128xf32, #tpu.memory_space<vmem>> -> memref<128x128xf32, #tpu.memory_space<vmem>>
      %dma_wait3A_125 = arith.constant 0 : i32
      %dma_wait3A_126 = tpu.memref_slice %arg9[%dma_wait3A, %dma_wait3A_125] : memref<2x128xi32, #tpu.memory_space<vmem>> -> memref<1x128xi32, #tpu.memory_space<vmem>>
      %dma_wait3A_127 = tpu.memref_squeeze %dma_wait3A_126 : memref<1x128xi32, #tpu.memory_space<vmem>> -> memref<128xi32, #tpu.memory_space<vmem>>
      %dma_wait3A_128 = arith.constant 0 : i32
      %dma_wait3A_129 = arith.constant 0 : i32
      %dma_wait3A_130 = tpu.memref_slice %arg6[%dma_wait3A_128, %dma_wait3A_129] : memref<50000x128xf32, #tpu.memory_space<hbm>> -> memref<50000x128xf32, #tpu.memory_space<hbm>>
      tpu.wait_indirect_dma semaphore(%arg18 : memref<!tpu.dma_semaphore, #tpu.memory_space<semaphore_mem>>) src(%dma_wait3A_130 : memref<50000x128xf32, #tpu.memory_space<hbm>>) dst(%dma_wait3A_124 : memref<128x128xf32, #tpu.memory_space<vmem>>)
      %dma_wait3A_131 = arith.constant 1 : i32
      %dma_wait3A_132 = arith.constant 128 : i32
      %dma_wait3A_133 = arith.constant 0 : i32
      %dma_wait3A_134 = tpu.memref_slice %arg13[%dma_wait3A_132, %dma_wait3A_133] : memref<256x128xf32, #tpu.memory_space<vmem>> -> memref<128x128xf32, #tpu.memory_space<vmem>>
      %dma_wait3A_135 = arith.constant 0 : i32
      %dma_wait3A_136 = tpu.memref_slice %arg9[%dma_wait3A_131, %dma_wait3A_135] : memref<2x128xi32, #tpu.memory_space<vmem>> -> memref<1x128xi32, #tpu.memory_space<vmem>>
      %dma_wait3A_137 = tpu.memref_squeeze %dma_wait3A_136 : memref<1x128xi32, #tpu.memory_space<vmem>> -> memref<128xi32, #tpu.memory_space<vmem>>
      %dma_wait3A_138 = arith.constant 0 : i32
      %dma_wait3A_139 = arith.constant 0 : i32
      %dma_wait3A_140 = tpu.memref_slice %arg6[%dma_wait3A_138, %dma_wait3A_139] : memref<50000x128xf32, #tpu.memory_space<hbm>> -> memref<50000x128xf32, #tpu.memory_space<hbm>>
      tpu.wait_indirect_dma semaphore(%arg18 : memref<!tpu.dma_semaphore, #tpu.memory_space<semaphore_mem>>) src(%dma_wait3A_140 : memref<50000x128xf32, #tpu.memory_space<hbm>>) dst(%dma_wait3A_134 : memref<128x128xf32, #tpu.memory_space<vmem>>)
      %scan3A_141 = arith.constant 0 : i32
      %scan3A_142 = arith.constant 0 : i32
      %scan3A_143 = arith.constant 128 : i32
      %scan3A_144 = arith.addi %scan3A_142, %scan3A_143 : i32
      %scan3A_145 = arith.constant 1 : i32
      %scan3A_146 = scf.for %scan3A_379 = %scan3A_142 to %scan3A_144 step %scan3A_145 iter_args(%scan3A_380 = %scan3A_141) -> (i32)  : i32 {
        %mul3A_381 = arith.constant 16 : i32
        %mul3A_382 = arith.muli %scan3A_379, %mul3A_381 : i32
        %multiple_of3A = tpu.assume_multiple %mul3A_382, 16 : i32
        %get3A_383 = arith.constant 0 : i32
        %get3A_384 = arith.index_cast %get3A_383 : i32 to index
        %get3A_385 = arith.index_cast %multiple_of3A : i32 to index
        %get3A_386 = tpu.vector_load %arg12[%get3A_384, %get3A_385] {strides = array<i32>} : memref<2x2048xf32, #tpu.memory_space<vmem>>, vector<16xf32>,
        %add3A_387 = arith.constant 0 : i32
        %add3A_388 = arith.addi %add3A_387, %scan3A_379 : i32
        %get3A_389 = arith.index_cast %add3A_388 : i32 to index
        %get3A_390 = arith.constant 0 : index
        %get3A_391 = tpu.vector_load %arg13[%get3A_389, %get3A_390] {strides = array<i32>} : memref<256x128xf32, #tpu.memory_space<vmem>>, vector<16xf32>,
        %mul3A_392 = arith.mulf %get3A_391, %get3A_386 : vector<16xf32>
        %add3A_393 = arith.constant 0 : i32
        %add3A_394 = arith.addi %add3A_393, %scan3A_379 : i32
        %swap3A_395 = arith.index_cast %add3A_394 : i32 to index
        %swap3A_396 = arith.constant 0 : index
        %swap3A_397 = tpu.vector_load %arg13[%swap3A_395, %swap3A_396] {strides = array<i32>} : memref<256x128xf32, #tpu.memory_space<vmem>>, vector<16xf32>,
        tpu.vector_store %arg13[%swap3A_395, %swap3A_396], %mul3A_392 {strides = array<i32>} : memref<256x128xf32, #tpu.memory_space<vmem>>, vector<16xf32>,
        %add3A_398 = arith.constant 0 : i32
        %add3A_399 = arith.addi %add3A_398, %scan3A_379 : i32
        %get3A_400 = arith.index_cast %add3A_399 : i32 to index
        %get3A_401 = arith.constant 16 : index
        %get3A_402 = tpu.vector_load %arg13[%get3A_400, %get3A_401] {strides = array<i32>} : memref<256x128xf32, #tpu.memory_space<vmem>>, vector<16xf32>,
        %mul3A_403 = arith.mulf %get3A_402, %get3A_386 : vector<16xf32>
        %add3A_404 = arith.constant 0 : i32
        %add3A_405 = arith.addi %add3A_404, %scan3A_379 : i32
        %swap3A_406 = arith.index_cast %add3A_405 : i32 to index
        %swap3A_407 = arith.constant 16 : index
        %swap3A_408 = tpu.vector_load %arg13[%swap3A_406, %swap3A_407] {strides = array<i32>} : memref<256x128xf32, #tpu.memory_space<vmem>>, vector<16xf32>,
        tpu.vector_store %arg13[%swap3A_406, %swap3A_407], %mul3A_403 {strides = array<i32>} : memref<256x128xf32, #tpu.memory_space<vmem>>, vector<16xf32>,
        %add3A_409 = arith.constant 0 : i32
        %add3A_410 = arith.addi %add3A_409, %scan3A_379 : i32
        %get3A_411 = arith.index_cast %add3A_410 : i32 to index
        %get3A_412 = arith.constant 32 : index
        %get3A_413 = tpu.vector_load %arg13[%get3A_411, %get3A_412] {strides = array<i32>} : memref<256x128xf32, #tpu.memory_space<vmem>>, vector<16xf32>,
        %mul3A_414 = arith.mulf %get3A_413, %get3A_386 : vector<16xf32>
        %add3A_415 = arith.constant 0 : i32
        %add3A_416 = arith.addi %add3A_415, %scan3A_379 : i32
        %swap3A_417 = arith.index_cast %add3A_416 : i32 to index
        %swap3A_418 = arith.constant 32 : index
        %swap3A_419 = tpu.vector_load %arg13[%swap3A_417, %swap3A_418] {strides = array<i32>} : memref<256x128xf32, #tpu.memory_space<vmem>>, vector<16xf32>,
        tpu.vector_store %arg13[%swap3A_417, %swap3A_418], %mul3A_414 {strides = array<i32>} : memref<256x128xf32, #tpu.memory_space<vmem>>, vector<16xf32>,
        %add3A_420 = arith.constant 0 : i32
        %add3A_421 = arith.addi %add3A_420, %scan3A_379 : i32
        %get3A_422 = arith.index_cast %add3A_421 : i32 to index
        %get3A_423 = arith.constant 48 : index
        %get3A_424 = tpu.vector_load %arg13[%get3A_422, %get3A_423] {strides = array<i32>} : memref<256x128xf32, #tpu.memory_space<vmem>>, vector<16xf32>,
        %mul3A_425 = arith.mulf %get3A_424, %get3A_386 : vector<16xf32>
        %add3A_426 = arith.constant 0 : i32
        %add3A_427 = arith.addi %add3A_426, %scan3A_379 : i32
        %swap3A_428 = arith.index_cast %add3A_427 : i32 to index
        %swap3A_429 = arith.constant 48 : index
        %swap3A_430 = tpu.vector_load %arg13[%swap3A_428, %swap3A_429] {strides = array<i32>} : memref<256x128xf32, #tpu.memory_space<vmem>>, vector<16xf32>,
        tpu.vector_store %arg13[%swap3A_428, %swap3A_429], %mul3A_425 {strides = array<i32>} : memref<256x128xf32, #tpu.memory_space<vmem>>, vector<16xf32>,
        %add3A_431 = arith.constant 0 : i32
        %add3A_432 = arith.addi %add3A_431, %scan3A_379 : i32
        %get3A_433 = arith.index_cast %add3A_432 : i32 to index
        %get3A_434 = arith.constant 64 : index
        %get3A_435 = tpu.vector_load %arg13[%get3A_433, %get3A_434] {strides = array<i32>} : memref<256x128xf32, #tpu.memory_space<vmem>>, vector<16xf32>,
        %mul3A_436 = arith.mulf %get3A_435, %get3A_386 : vector<16xf32>
        %add3A_437 = arith.constant 0 : i32
        %add3A_438 = arith.addi %add3A_437, %scan3A_379 : i32
        %swap3A_439 = arith.index_cast %add3A_438 : i32 to index
        %swap3A_440 = arith.constant 64 : index
        %swap3A_441 = tpu.vector_load %arg13[%swap3A_439, %swap3A_440] {strides = array<i32>} : memref<256x128xf32, #tpu.memory_space<vmem>>, vector<16xf32>,
        tpu.vector_store %arg13[%swap3A_439, %swap3A_440], %mul3A_436 {strides = array<i32>} : memref<256x128xf32, #tpu.memory_space<vmem>>, vector<16xf32>,
        %add3A_442 = arith.constant 0 : i32
        %add3A_443 = arith.addi %add3A_442, %scan3A_379 : i32
        %get3A_444 = arith.index_cast %add3A_443 : i32 to index
        %get3A_445 = arith.constant 80 : index
        %get3A_446 = tpu.vector_load %arg13[%get3A_444, %get3A_445] {strides = array<i32>} : memref<256x128xf32, #tpu.memory_space<vmem>>, vector<16xf32>,
        %mul3A_447 = arith.mulf %get3A_446, %get3A_386 : vector<16xf32>
        %add3A_448 = arith.constant 0 : i32
        %add3A_449 = arith.addi %add3A_448, %scan3A_379 : i32
        %swap3A_450 = arith.index_cast %add3A_449 : i32 to index
        %swap3A_451 = arith.constant 80 : index
        %swap3A_452 = tpu.vector_load %arg13[%swap3A_450, %swap3A_451] {strides = array<i32>} : memref<256x128xf32, #tpu.memory_space<vmem>>, vector<16xf32>,
        tpu.vector_store %arg13[%swap3A_450, %swap3A_451], %mul3A_447 {strides = array<i32>} : memref<256x128xf32, #tpu.memory_space<vmem>>, vector<16xf32>,
        %add3A_453 = arith.constant 0 : i32
        %add3A_454 = arith.addi %add3A_453, %scan3A_379 : i32
        %get3A_455 = arith.index_cast %add3A_454 : i32 to index
        %get3A_456 = arith.constant 96 : index
        %get3A_457 = tpu.vector_load %arg13[%get3A_455, %get3A_456] {strides = array<i32>} : memref<256x128xf32, #tpu.memory_space<vmem>>, vector<16xf32>,
        %mul3A_458 = arith.mulf %get3A_457, %get3A_386 : vector<16xf32>
        %add3A_459 = arith.constant 0 : i32
        %add3A_460 = arith.addi %add3A_459, %scan3A_379 : i32
        %swap3A_461 = arith.index_cast %add3A_460 : i32 to index
        %swap3A_462 = arith.constant 96 : index
        %swap3A_463 = tpu.vector_load %arg13[%swap3A_461, %swap3A_462] {strides = array<i32>} : memref<256x128xf32, #tpu.memory_space<vmem>>, vector<16xf32>,
        tpu.vector_store %arg13[%swap3A_461, %swap3A_462], %mul3A_458 {strides = array<i32>} : memref<256x128xf32, #tpu.memory_space<vmem>>, vector<16xf32>,
        %add3A_464 = arith.constant 0 : i32
        %add3A_465 = arith.addi %add3A_464, %scan3A_379 : i32
        %get3A_466 = arith.index_cast %add3A_465 : i32 to index
        %get3A_467 = arith.constant 112 : index
        %get3A_468 = tpu.vector_load %arg13[%get3A_466, %get3A_467] {strides = array<i32>} : memref<256x128xf32, #tpu.memory_space<vmem>>, vector<16xf32>,
        %mul3A_469 = arith.mulf %get3A_468, %get3A_386 : vector<16xf32>
        %add3A_470 = arith.constant 0 : i32
        %add3A_471 = arith.addi %add3A_470, %scan3A_379 : i32
        %swap3A_472 = arith.index_cast %add3A_471 : i32 to index
        %swap3A_473 = arith.constant 112 : index
        %swap3A_474 = tpu.vector_load %arg13[%swap3A_472, %swap3A_473] {strides = array<i32>} : memref<256x128xf32, #tpu.memory_space<vmem>>, vector<16xf32>,
        tpu.vector_store %arg13[%swap3A_472, %swap3A_473], %mul3A_469 {strides = array<i32>} : memref<256x128xf32, #tpu.memory_space<vmem>>, vector<16xf32>,
        %scan3A_475 = arith.constant 0 : i32
        scf.yield %scan3A_475 : i32
      }
      %scan3A_147 = arith.constant 128 : i32
      %run_scoped3A_148 = arith.constant 0 : i32
      "tpu.region"() ({
        %run_scoped3A_379 = tpu.sem_alloc : memref<!tpu.dma_semaphore, #tpu.memory_space<semaphore_mem>>
        %dma_start3A_380 = arith.constant 0 : i32
        %dma_start3A_381 = arith.constant 0 : i32
        %dma_start3A_382 = tpu.memref_slice %arg13[%dma_start3A_380, %dma_start3A_381] : memref<256x128xf32, #tpu.memory_space<vmem>> -> memref<128x128xf32, #tpu.memory_space<vmem>>
        %dma_start3A_383 = arith.constant 0 : i32
        %dma_start3A_384 = tpu.memref_slice %arg10[%run_scoped3A_148, %dma_start3A_383] : memref<2x128xi32, #tpu.memory_space<vmem>> -> memref<1x128xi32, #tpu.memory_space<vmem>>
        %dma_start3A_385 = tpu.memref_squeeze %dma_start3A_384 : memref<1x128xi32, #tpu.memory_space<vmem>> -> memref<128xi32, #tpu.memory_space<vmem>>
        %dma_start3A_386 = arith.constant 0 : i32
        %dma_start3A_387 = arith.constant 0 : i32
        %dma_start3A_388 = tpu.memref_slice %arg16[%dma_start3A_386, %dma_start3A_387] : memref<10240x128xf32, #tpu.memory_space<vmem_shared>> -> memref<10240x128xf32, #tpu.memory_space<vmem_shared>>
        tpu.enqueue_indirect_dma source(%dma_start3A_382 : memref<128x128xf32, #tpu.memory_space<vmem>>) target(%dma_start3A_388 : memref<10240x128xf32, #tpu.memory_space<vmem_shared>>) offsets(%dma_start3A_385 : memref<128xi32, #tpu.memory_space<vmem>>) semaphore(%run_scoped3A_379 : memref<!tpu.dma_semaphore, #tpu.memory_space<semaphore_mem>>) {add = true}
        %dma_wait3A_389 = arith.constant 0 : i32
        %dma_wait3A_390 = arith.constant 0 : i32
        %dma_wait3A_391 = tpu.memref_slice %arg13[%dma_wait3A_389, %dma_wait3A_390] : memref<256x128xf32, #tpu.memory_space<vmem>> -> memref<128x128xf32, #tpu.memory_space<vmem>>
        %dma_wait3A_392 = arith.constant 0 : i32
        %dma_wait3A_393 = tpu.memref_slice %arg10[%run_scoped3A_148, %dma_wait3A_392] : memref<2x128xi32, #tpu.memory_space<vmem>> -> memref<1x128xi32, #tpu.memory_space<vmem>>
        %dma_wait3A_394 = tpu.memref_squeeze %dma_wait3A_393 : memref<1x128xi32, #tpu.memory_space<vmem>> -> memref<128xi32, #tpu.memory_space<vmem>>
        %dma_wait3A_395 = arith.constant 0 : i32
        %dma_wait3A_396 = arith.constant 0 : i32
        %dma_wait3A_397 = tpu.memref_slice %arg16[%dma_wait3A_395, %dma_wait3A_396] : memref<10240x128xf32, #tpu.memory_space<vmem_shared>> -> memref<10240x128xf32, #tpu.memory_space<vmem_shared>>
        tpu.wait_indirect_dma semaphore(%run_scoped3A_379 : memref<!tpu.dma_semaphore, #tpu.memory_space<semaphore_mem>>) src(%dma_wait3A_391 : memref<128x128xf32, #tpu.memory_space<vmem>>) dst(%dma_wait3A_397 : memref<10240x128xf32, #tpu.memory_space<vmem_shared>>)
        tpu.yield
      }) : () -> ()
      %get3A = arith.constant 0 : i32
      %get3A_149 = arith.index_cast %get3A : i32 to index
      %get3A_150 = arith.constant 0 : index
      %get3A_151 = tpu.vector_load %arg10[%get3A_149, %get3A_150] {strides = array<i32>} : memref<2x128xi32, #tpu.memory_space<vmem>>, vector<16xi32>,
      %shift_right_logical3A = arith.constant 7 : i32
      %shift_right_logical3A_152 = vector.broadcast %shift_right_logical3A : i32 to vector<16xi32>
      %shift_right_logical3A_153 = arith.shrui %get3A_151, %shift_right_logical3A_152 : vector<16xi32>
      %and3A = arith.constant 127 : i32
      %and3A_154 = vector.broadcast %and3A : i32 to vector<16xi32>
      %and3A_155 = arith.andi %get3A_151, %and3A_154 : vector<16xi32>
      %get3A_156 = arith.constant 0 : i32
      %get3A_157 = arith.index_cast %get3A_156 : i32 to index
      %get3A_158 = arith.constant 0 : index
      %get3A_159 = tpu.vector_load %arg11[%get3A_157, %get3A_158] {strides = array<i32>} : memref<2x128xf32, #tpu.memory_space<vmem>>, vector<16xf32>,
      tpu.vector_store_idx %arg14[%shift_right_logical3A_153, %and3A_155], %get3A_159 {add = true} : memref<80x128xf32, #tpu.memory_space<vmem>>[vector<16xi32>, vector<16xi32>], vector<16xf32>,
      %get3A_160 = arith.constant 0 : i32
      %get3A_161 = arith.index_cast %get3A_160 : i32 to index
      %get3A_162 = arith.constant 16 : index
      %get3A_163 = tpu.vector_load %arg10[%get3A_161, %get3A_162] {strides = array<i32>} : memref<2x128xi32, #tpu.memory_space<vmem>>, vector<16xi32>,
      %shift_right_logical3A_164 = arith.constant 7 : i32
      %shift_right_logical3A_165 = vector.broadcast %shift_right_logical3A_164 : i32 to vector<16xi32>
      %shift_right_logical3A_166 = arith.shrui %get3A_163, %shift_right_logical3A_165 : vector<16xi32>
      %and3A_167 = arith.constant 127 : i32
      %and3A_168 = vector.broadcast %and3A_167 : i32 to vector<16xi32>
      %and3A_169 = arith.andi %get3A_163, %and3A_168 : vector<16xi32>
      %get3A_170 = arith.constant 0 : i32
      %get3A_171 = arith.index_cast %get3A_170 : i32 to index
      %get3A_172 = arith.constant 16 : index
      %get3A_173 = tpu.vector_load %arg11[%get3A_171, %get3A_172] {strides = array<i32>} : memref<2x128xf32, #tpu.memory_space<vmem>>, vector<16xf32>,
      tpu.vector_store_idx %arg14[%shift_right_logical3A_166, %and3A_169], %get3A_173 {add = true} : memref<80x128xf32, #tpu.memory_space<vmem>>[vector<16xi32>, vector<16xi32>], vector<16xf32>,
      %get3A_174 = arith.constant 0 : i32
      %get3A_175 = arith.index_cast %get3A_174 : i32 to index
      %get3A_176 = arith.constant 32 : index
      %get3A_177 = tpu.vector_load %arg10[%get3A_175, %get3A_176] {strides = array<i32>} : memref<2x128xi32, #tpu.memory_space<vmem>>, vector<16xi32>,
      %shift_right_logical3A_178 = arith.constant 7 : i32
      %shift_right_logical3A_179 = vector.broadcast %shift_right_logical3A_178 : i32 to vector<16xi32>
      %shift_right_logical3A_180 = arith.shrui %get3A_177, %shift_right_logical3A_179 : vector<16xi32>
      %and3A_181 = arith.constant 127 : i32
      %and3A_182 = vector.broadcast %and3A_181 : i32 to vector<16xi32>
      %and3A_183 = arith.andi %get3A_177, %and3A_182 : vector<16xi32>
      %get3A_184 = arith.constant 0 : i32
      %get3A_185 = arith.index_cast %get3A_184 : i32 to index
      %get3A_186 = arith.constant 32 : index
      %get3A_187 = tpu.vector_load %arg11[%get3A_185, %get3A_186] {strides = array<i32>} : memref<2x128xf32, #tpu.memory_space<vmem>>, vector<16xf32>,
      tpu.vector_store_idx %arg14[%shift_right_logical3A_180, %and3A_183], %get3A_187 {add = true} : memref<80x128xf32, #tpu.memory_space<vmem>>[vector<16xi32>, vector<16xi32>], vector<16xf32>,
      %get3A_188 = arith.constant 0 : i32
      %get3A_189 = arith.index_cast %get3A_188 : i32 to index
      %get3A_190 = arith.constant 48 : index
      %get3A_191 = tpu.vector_load %arg10[%get3A_189, %get3A_190] {strides = array<i32>} : memref<2x128xi32, #tpu.memory_space<vmem>>, vector<16xi32>,
      %shift_right_logical3A_192 = arith.constant 7 : i32
      %shift_right_logical3A_193 = vector.broadcast %shift_right_logical3A_192 : i32 to vector<16xi32>
      %shift_right_logical3A_194 = arith.shrui %get3A_191, %shift_right_logical3A_193 : vector<16xi32>
      %and3A_195 = arith.constant 127 : i32
      %and3A_196 = vector.broadcast %and3A_195 : i32 to vector<16xi32>
      %and3A_197 = arith.andi %get3A_191, %and3A_196 : vector<16xi32>
      %get3A_198 = arith.constant 0 : i32
      %get3A_199 = arith.index_cast %get3A_198 : i32 to index
      %get3A_200 = arith.constant 48 : index
      %get3A_201 = tpu.vector_load %arg11[%get3A_199, %get3A_200] {strides = array<i32>} : memref<2x128xf32, #tpu.memory_space<vmem>>, vector<16xf32>,
      tpu.vector_store_idx %arg14[%shift_right_logical3A_194, %and3A_197], %get3A_201 {add = true} : memref<80x128xf32, #tpu.memory_space<vmem>>[vector<16xi32>, vector<16xi32>], vector<16xf32>,
      %get3A_202 = arith.constant 0 : i32
      %get3A_203 = arith.index_cast %get3A_202 : i32 to index
      %get3A_204 = arith.constant 64 : index
      %get3A_205 = tpu.vector_load %arg10[%get3A_203, %get3A_204] {strides = array<i32>} : memref<2x128xi32, #tpu.memory_space<vmem>>, vector<16xi32>,
      %shift_right_logical3A_206 = arith.constant 7 : i32
      %shift_right_logical3A_207 = vector.broadcast %shift_right_logical3A_206 : i32 to vector<16xi32>
      %shift_right_logical3A_208 = arith.shrui %get3A_205, %shift_right_logical3A_207 : vector<16xi32>
      %and3A_209 = arith.constant 127 : i32
      %and3A_210 = vector.broadcast %and3A_209 : i32 to vector<16xi32>
      %and3A_211 = arith.andi %get3A_205, %and3A_210 : vector<16xi32>
      %get3A_212 = arith.constant 0 : i32
      %get3A_213 = arith.index_cast %get3A_212 : i32 to index
      %get3A_214 = arith.constant 64 : index
      %get3A_215 = tpu.vector_load %arg11[%get3A_213, %get3A_214] {strides = array<i32>} : memref<2x128xf32, #tpu.memory_space<vmem>>, vector<16xf32>,
      tpu.vector_store_idx %arg14[%shift_right_logical3A_208, %and3A_211], %get3A_215 {add = true} : memref<80x128xf32, #tpu.memory_space<vmem>>[vector<16xi32>, vector<16xi32>], vector<16xf32>,
      %get3A_216 = arith.constant 0 : i32
      %get3A_217 = arith.index_cast %get3A_216 : i32 to index
      %get3A_218 = arith.constant 80 : index
      %get3A_219 = tpu.vector_load %arg10[%get3A_217, %get3A_218] {strides = array<i32>} : memref<2x128xi32, #tpu.memory_space<vmem>>, vector<16xi32>,
      %shift_right_logical3A_220 = arith.constant 7 : i32
      %shift_right_logical3A_221 = vector.broadcast %shift_right_logical3A_220 : i32 to vector<16xi32>
      %shift_right_logical3A_222 = arith.shrui %get3A_219, %shift_right_logical3A_221 : vector<16xi32>
      %and3A_223 = arith.constant 127 : i32
      %and3A_224 = vector.broadcast %and3A_223 : i32 to vector<16xi32>
      %and3A_225 = arith.andi %get3A_219, %and3A_224 : vector<16xi32>
      %get3A_226 = arith.constant 0 : i32
      %get3A_227 = arith.index_cast %get3A_226 : i32 to index
      %get3A_228 = arith.constant 80 : index
      %get3A_229 = tpu.vector_load %arg11[%get3A_227, %get3A_228] {strides = array<i32>} : memref<2x128xf32, #tpu.memory_space<vmem>>, vector<16xf32>,
      tpu.vector_store_idx %arg14[%shift_right_logical3A_222, %and3A_225], %get3A_229 {add = true} : memref<80x128xf32, #tpu.memory_space<vmem>>[vector<16xi32>, vector<16xi32>], vector<16xf32>,
      %get3A_230 = arith.constant 0 : i32
      %get3A_231 = arith.index_cast %get3A_230 : i32 to index
      %get3A_232 = arith.constant 96 : index
      %get3A_233 = tpu.vector_load %arg10[%get3A_231, %get3A_232] {strides = array<i32>} : memref<2x128xi32, #tpu.memory_space<vmem>>, vector<16xi32>,
      %shift_right_logical3A_234 = arith.constant 7 : i32
      %shift_right_logical3A_235 = vector.broadcast %shift_right_logical3A_234 : i32 to vector<16xi32>
      %shift_right_logical3A_236 = arith.shrui %get3A_233, %shift_right_logical3A_235 : vector<16xi32>
      %and3A_237 = arith.constant 127 : i32
      %and3A_238 = vector.broadcast %and3A_237 : i32 to vector<16xi32>
      %and3A_239 = arith.andi %get3A_233, %and3A_238 : vector<16xi32>
      %get3A_240 = arith.constant 0 : i32
      %get3A_241 = arith.index_cast %get3A_240 : i32 to index
      %get3A_242 = arith.constant 96 : index
      %get3A_243 = tpu.vector_load %arg11[%get3A_241, %get3A_242] {strides = array<i32>} : memref<2x128xf32, #tpu.memory_space<vmem>>, vector<16xf32>,
      tpu.vector_store_idx %arg14[%shift_right_logical3A_236, %and3A_239], %get3A_243 {add = true} : memref<80x128xf32, #tpu.memory_space<vmem>>[vector<16xi32>, vector<16xi32>], vector<16xf32>,
      %get3A_244 = arith.constant 0 : i32
      %get3A_245 = arith.index_cast %get3A_244 : i32 to index
      %get3A_246 = arith.constant 112 : index
      %get3A_247 = tpu.vector_load %arg10[%get3A_245, %get3A_246] {strides = array<i32>} : memref<2x128xi32, #tpu.memory_space<vmem>>, vector<16xi32>,
      %shift_right_logical3A_248 = arith.constant 7 : i32
      %shift_right_logical3A_249 = vector.broadcast %shift_right_logical3A_248 : i32 to vector<16xi32>
      %shift_right_logical3A_250 = arith.shrui %get3A_247, %shift_right_logical3A_249 : vector<16xi32>
      %and3A_251 = arith.constant 127 : i32
      %and3A_252 = vector.broadcast %and3A_251 : i32 to vector<16xi32>
      %and3A_253 = arith.andi %get3A_247, %and3A_252 : vector<16xi32>
      %get3A_254 = arith.constant 0 : i32
      %get3A_255 = arith.index_cast %get3A_254 : i32 to index
      %get3A_256 = arith.constant 112 : index
      %get3A_257 = tpu.vector_load %arg11[%get3A_255, %get3A_256] {strides = array<i32>} : memref<2x128xf32, #tpu.memory_space<vmem>>, vector<16xf32>,
      tpu.vector_store_idx %arg14[%shift_right_logical3A_250, %and3A_253], %get3A_257 {add = true} : memref<80x128xf32, #tpu.memory_space<vmem>>[vector<16xi32>, vector<16xi32>], vector<16xf32>,
      %scan3A_258 = arith.constant 0 : i32
      %scan3A_259 = arith.constant 0 : i32
      %scan3A_260 = arith.constant 128 : i32
      %scan3A_261 = arith.addi %scan3A_259, %scan3A_260 : i32
      %scan3A_262 = arith.constant 1 : i32
      %scan3A_263 = scf.for %scan3A_379 = %scan3A_259 to %scan3A_261 step %scan3A_262 iter_args(%scan3A_380 = %scan3A_258) -> (i32)  : i32 {
        %mul3A_381 = arith.constant 16 : i32
        %mul3A_382 = arith.muli %scan3A_379, %mul3A_381 : i32
        %multiple_of3A = tpu.assume_multiple %mul3A_382, 16 : i32
        %get3A_383 = arith.constant 1 : i32
        %get3A_384 = arith.index_cast %get3A_383 : i32 to index
        %get3A_385 = arith.index_cast %multiple_of3A : i32 to index
        %get3A_386 = tpu.vector_load %arg12[%get3A_384, %get3A_385] {strides = array<i32>} : memref<2x2048xf32, #tpu.memory_space<vmem>>, vector<16xf32>,
        %add3A_387 = arith.constant 128 : i32
        %add3A_388 = arith.addi %add3A_387, %scan3A_379 : i32
        %get3A_389 = arith.index_cast %add3A_388 : i32 to index
        %get3A_390 = arith.constant 0 : index
        %get3A_391 = tpu.vector_load %arg13[%get3A_389, %get3A_390] {strides = array<i32>} : memref<256x128xf32, #tpu.memory_space<vmem>>, vector<16xf32>,
        %mul3A_392 = arith.mulf %get3A_391, %get3A_386 : vector<16xf32>
        %add3A_393 = arith.constant 128 : i32
        %add3A_394 = arith.addi %add3A_393, %scan3A_379 : i32
        %swap3A_395 = arith.index_cast %add3A_394 : i32 to index
        %swap3A_396 = arith.constant 0 : index
        %swap3A_397 = tpu.vector_load %arg13[%swap3A_395, %swap3A_396] {strides = array<i32>} : memref<256x128xf32, #tpu.memory_space<vmem>>, vector<16xf32>,
        tpu.vector_store %arg13[%swap3A_395, %swap3A_396], %mul3A_392 {strides = array<i32>} : memref<256x128xf32, #tpu.memory_space<vmem>>, vector<16xf32>,
        %add3A_398 = arith.constant 128 : i32
        %add3A_399 = arith.addi %add3A_398, %scan3A_379 : i32
        %get3A_400 = arith.index_cast %add3A_399 : i32 to index
        %get3A_401 = arith.constant 16 : index
        %get3A_402 = tpu.vector_load %arg13[%get3A_400, %get3A_401] {strides = array<i32>} : memref<256x128xf32, #tpu.memory_space<vmem>>, vector<16xf32>,
        %mul3A_403 = arith.mulf %get3A_402, %get3A_386 : vector<16xf32>
        %add3A_404 = arith.constant 128 : i32
        %add3A_405 = arith.addi %add3A_404, %scan3A_379 : i32
        %swap3A_406 = arith.index_cast %add3A_405 : i32 to index
        %swap3A_407 = arith.constant 16 : index
        %swap3A_408 = tpu.vector_load %arg13[%swap3A_406, %swap3A_407] {strides = array<i32>} : memref<256x128xf32, #tpu.memory_space<vmem>>, vector<16xf32>,
        tpu.vector_store %arg13[%swap3A_406, %swap3A_407], %mul3A_403 {strides = array<i32>} : memref<256x128xf32, #tpu.memory_space<vmem>>, vector<16xf32>,
        %add3A_409 = arith.constant 128 : i32
        %add3A_410 = arith.addi %add3A_409, %scan3A_379 : i32
        %get3A_411 = arith.index_cast %add3A_410 : i32 to index
        %get3A_412 = arith.constant 32 : index
        %get3A_413 = tpu.vector_load %arg13[%get3A_411, %get3A_412] {strides = array<i32>} : memref<256x128xf32, #tpu.memory_space<vmem>>, vector<16xf32>,
        %mul3A_414 = arith.mulf %get3A_413, %get3A_386 : vector<16xf32>
        %add3A_415 = arith.constant 128 : i32
        %add3A_416 = arith.addi %add3A_415, %scan3A_379 : i32
        %swap3A_417 = arith.index_cast %add3A_416 : i32 to index
        %swap3A_418 = arith.constant 32 : index
        %swap3A_419 = tpu.vector_load %arg13[%swap3A_417, %swap3A_418] {strides = array<i32>} : memref<256x128xf32, #tpu.memory_space<vmem>>, vector<16xf32>,
        tpu.vector_store %arg13[%swap3A_417, %swap3A_418], %mul3A_414 {strides = array<i32>} : memref<256x128xf32, #tpu.memory_space<vmem>>, vector<16xf32>,
        %add3A_420 = arith.constant 128 : i32
        %add3A_421 = arith.addi %add3A_420, %scan3A_379 : i32
        %get3A_422 = arith.index_cast %add3A_421 : i32 to index
        %get3A_423 = arith.constant 48 : index
        %get3A_424 = tpu.vector_load %arg13[%get3A_422, %get3A_423] {strides = array<i32>} : memref<256x128xf32, #tpu.memory_space<vmem>>, vector<16xf32>,
        %mul3A_425 = arith.mulf %get3A_424, %get3A_386 : vector<16xf32>
        %add3A_426 = arith.constant 128 : i32
        %add3A_427 = arith.addi %add3A_426, %scan3A_379 : i32
        %swap3A_428 = arith.index_cast %add3A_427 : i32 to index
        %swap3A_429 = arith.constant 48 : index
        %swap3A_430 = tpu.vector_load %arg13[%swap3A_428, %swap3A_429] {strides = array<i32>} : memref<256x128xf32, #tpu.memory_space<vmem>>, vector<16xf32>,
        tpu.vector_store %arg13[%swap3A_428, %swap3A_429], %mul3A_425 {strides = array<i32>} : memref<256x128xf32, #tpu.memory_space<vmem>>, vector<16xf32>,
        %add3A_431 = arith.constant 128 : i32
        %add3A_432 = arith.addi %add3A_431, %scan3A_379 : i32
        %get3A_433 = arith.index_cast %add3A_432 : i32 to index
        %get3A_434 = arith.constant 64 : index
        %get3A_435 = tpu.vector_load %arg13[%get3A_433, %get3A_434] {strides = array<i32>} : memref<256x128xf32, #tpu.memory_space<vmem>>, vector<16xf32>,
        %mul3A_436 = arith.mulf %get3A_435, %get3A_386 : vector<16xf32>
        %add3A_437 = arith.constant 128 : i32
        %add3A_438 = arith.addi %add3A_437, %scan3A_379 : i32
        %swap3A_439 = arith.index_cast %add3A_438 : i32 to index
        %swap3A_440 = arith.constant 64 : index
        %swap3A_441 = tpu.vector_load %arg13[%swap3A_439, %swap3A_440] {strides = array<i32>} : memref<256x128xf32, #tpu.memory_space<vmem>>, vector<16xf32>,
        tpu.vector_store %arg13[%swap3A_439, %swap3A_440], %mul3A_436 {strides = array<i32>} : memref<256x128xf32, #tpu.memory_space<vmem>>, vector<16xf32>,
        %add3A_442 = arith.constant 128 : i32
        %add3A_443 = arith.addi %add3A_442, %scan3A_379 : i32
        %get3A_444 = arith.index_cast %add3A_443 : i32 to index
        %get3A_445 = arith.constant 80 : index
        %get3A_446 = tpu.vector_load %arg13[%get3A_444, %get3A_445] {strides = array<i32>} : memref<256x128xf32, #tpu.memory_space<vmem>>, vector<16xf32>,
        %mul3A_447 = arith.mulf %get3A_446, %get3A_386 : vector<16xf32>
        %add3A_448 = arith.constant 128 : i32
        %add3A_449 = arith.addi %add3A_448, %scan3A_379 : i32
        %swap3A_450 = arith.index_cast %add3A_449 : i32 to index
        %swap3A_451 = arith.constant 80 : index
        %swap3A_452 = tpu.vector_load %arg13[%swap3A_450, %swap3A_451] {strides = array<i32>} : memref<256x128xf32, #tpu.memory_space<vmem>>, vector<16xf32>,
        tpu.vector_store %arg13[%swap3A_450, %swap3A_451], %mul3A_447 {strides = array<i32>} : memref<256x128xf32, #tpu.memory_space<vmem>>, vector<16xf32>,
        %add3A_453 = arith.constant 128 : i32
        %add3A_454 = arith.addi %add3A_453, %scan3A_379 : i32
        %get3A_455 = arith.index_cast %add3A_454 : i32 to index
        %get3A_456 = arith.constant 96 : index
        %get3A_457 = tpu.vector_load %arg13[%get3A_455, %get3A_456] {strides = array<i32>} : memref<256x128xf32, #tpu.memory_space<vmem>>, vector<16xf32>,
        %mul3A_458 = arith.mulf %get3A_457, %get3A_386 : vector<16xf32>
        %add3A_459 = arith.constant 128 : i32
        %add3A_460 = arith.addi %add3A_459, %scan3A_379 : i32
        %swap3A_461 = arith.index_cast %add3A_460 : i32 to index
        %swap3A_462 = arith.constant 96 : index
        %swap3A_463 = tpu.vector_load %arg13[%swap3A_461, %swap3A_462] {strides = array<i32>} : memref<256x128xf32, #tpu.memory_space<vmem>>, vector<16xf32>,
        tpu.vector_store %arg13[%swap3A_461, %swap3A_462], %mul3A_458 {strides = array<i32>} : memref<256x128xf32, #tpu.memory_space<vmem>>, vector<16xf32>,
        %add3A_464 = arith.constant 128 : i32
        %add3A_465 = arith.addi %add3A_464, %scan3A_379 : i32
        %get3A_466 = arith.index_cast %add3A_465 : i32 to index
        %get3A_467 = arith.constant 112 : index
        %get3A_468 = tpu.vector_load %arg13[%get3A_466, %get3A_467] {strides = array<i32>} : memref<256x128xf32, #tpu.memory_space<vmem>>, vector<16xf32>,
        %mul3A_469 = arith.mulf %get3A_468, %get3A_386 : vector<16xf32>
        %add3A_470 = arith.constant 128 : i32
        %add3A_471 = arith.addi %add3A_470, %scan3A_379 : i32
        %swap3A_472 = arith.index_cast %add3A_471 : i32 to index
        %swap3A_473 = arith.constant 112 : index
        %swap3A_474 = tpu.vector_load %arg13[%swap3A_472, %swap3A_473] {strides = array<i32>} : memref<256x128xf32, #tpu.memory_space<vmem>>, vector<16xf32>,
        tpu.vector_store %arg13[%swap3A_472, %swap3A_473], %mul3A_469 {strides = array<i32>} : memref<256x128xf32, #tpu.memory_space<vmem>>, vector<16xf32>,
        %scan3A_475 = arith.constant 0 : i32
        scf.yield %scan3A_475 : i32
      }
      %scan3A_264 = arith.constant 128 : i32
      %run_scoped3A_265 = arith.constant 1 : i32
      "tpu.region"() ({
        %run_scoped3A_379 = tpu.sem_alloc : memref<!tpu.dma_semaphore, #tpu.memory_space<semaphore_mem>>
        %dma_start3A_380 = arith.constant 128 : i32
        %dma_start3A_381 = arith.constant 0 : i32
        %dma_start3A_382 = tpu.memref_slice %arg13[%dma_start3A_380, %dma_start3A_381] : memref<256x128xf32, #tpu.memory_space<vmem>> -> memref<128x128xf32, #tpu.memory_space<vmem>>
        %dma_start3A_383 = arith.constant 0 : i32
        %dma_start3A_384 = tpu.memref_slice %arg10[%run_scoped3A_265, %dma_start3A_383] : memref<2x128xi32, #tpu.memory_space<vmem>> -> memref<1x128xi32, #tpu.memory_space<vmem>>
        %dma_start3A_385 = tpu.memref_squeeze %dma_start3A_384 : memref<1x128xi32, #tpu.memory_space<vmem>> -> memref<128xi32, #tpu.memory_space<vmem>>
        %dma_start3A_386 = arith.constant 0 : i32
        %dma_start3A_387 = arith.constant 0 : i32
        %dma_start3A_388 = tpu.memref_slice %arg16[%dma_start3A_386, %dma_start3A_387] : memref<10240x128xf32, #tpu.memory_space<vmem_shared>> -> memref<10240x128xf32, #tpu.memory_space<vmem_shared>>
        tpu.enqueue_indirect_dma source(%dma_start3A_382 : memref<128x128xf32, #tpu.memory_space<vmem>>) target(%dma_start3A_388 : memref<10240x128xf32, #tpu.memory_space<vmem_shared>>) offsets(%dma_start3A_385 : memref<128xi32, #tpu.memory_space<vmem>>) semaphore(%run_scoped3A_379 : memref<!tpu.dma_semaphore, #tpu.memory_space<semaphore_mem>>) {add = true}
        %dma_wait3A_389 = arith.constant 128 : i32
        %dma_wait3A_390 = arith.constant 0 : i32
        %dma_wait3A_391 = tpu.memref_slice %arg13[%dma_wait3A_389, %dma_wait3A_390] : memref<256x128xf32, #tpu.memory_space<vmem>> -> memref<128x128xf32, #tpu.memory_space<vmem>>
        %dma_wait3A_392 = arith.constant 0 : i32
        %dma_wait3A_393 = tpu.memref_slice %arg10[%run_scoped3A_265, %dma_wait3A_392] : memref<2x128xi32, #tpu.memory_space<vmem>> -> memref<1x128xi32, #tpu.memory_space<vmem>>
        %dma_wait3A_394 = tpu.memref_squeeze %dma_wait3A_393 : memref<1x128xi32, #tpu.memory_space<vmem>> -> memref<128xi32, #tpu.memory_space<vmem>>
        %dma_wait3A_395 = arith.constant 0 : i32
        %dma_wait3A_396 = arith.constant 0 : i32
        %dma_wait3A_397 = tpu.memref_slice %arg16[%dma_wait3A_395, %dma_wait3A_396] : memref<10240x128xf32, #tpu.memory_space<vmem_shared>> -> memref<10240x128xf32, #tpu.memory_space<vmem_shared>>
        tpu.wait_indirect_dma semaphore(%run_scoped3A_379 : memref<!tpu.dma_semaphore, #tpu.memory_space<semaphore_mem>>) src(%dma_wait3A_391 : memref<128x128xf32, #tpu.memory_space<vmem>>) dst(%dma_wait3A_397 : memref<10240x128xf32, #tpu.memory_space<vmem_shared>>)
        tpu.yield
      }) : () -> ()
      %get3A_266 = arith.constant 1 : i32
      %get3A_267 = arith.index_cast %get3A_266 : i32 to index
      %get3A_268 = arith.constant 0 : index
      %get3A_269 = tpu.vector_load %arg10[%get3A_267, %get3A_268] {strides = array<i32>} : memref<2x128xi32, #tpu.memory_space<vmem>>, vector<16xi32>,
      %shift_right_logical3A_270 = arith.constant 7 : i32
      %shift_right_logical3A_271 = vector.broadcast %shift_right_logical3A_270 : i32 to vector<16xi32>
      %shift_right_logical3A_272 = arith.shrui %get3A_269, %shift_right_logical3A_271 : vector<16xi32>
      %and3A_273 = arith.constant 127 : i32
      %and3A_274 = vector.broadcast %and3A_273 : i32 to vector<16xi32>
      %and3A_275 = arith.andi %get3A_269, %and3A_274 : vector<16xi32>
      %get3A_276 = arith.constant 1 : i32
      %get3A_277 = arith.index_cast %get3A_276 : i32 to index
      %get3A_278 = arith.constant 0 : index
      %get3A_279 = tpu.vector_load %arg11[%get3A_277, %get3A_278] {strides = array<i32>} : memref<2x128xf32, #tpu.memory_space<vmem>>, vector<16xf32>,
      tpu.vector_store_idx %arg14[%shift_right_logical3A_272, %and3A_275], %get3A_279 {add = true} : memref<80x128xf32, #tpu.memory_space<vmem>>[vector<16xi32>, vector<16xi32>], vector<16xf32>,
      %get3A_280 = arith.constant 1 : i32
      %get3A_281 = arith.index_cast %get3A_280 : i32 to index
      %get3A_282 = arith.constant 16 : index
      %get3A_283 = tpu.vector_load %arg10[%get3A_281, %get3A_282] {strides = array<i32>} : memref<2x128xi32, #tpu.memory_space<vmem>>, vector<16xi32>,
      %shift_right_logical3A_284 = arith.constant 7 : i32
      %shift_right_logical3A_285 = vector.broadcast %shift_right_logical3A_284 : i32 to vector<16xi32>
      %shift_right_logical3A_286 = arith.shrui %get3A_283, %shift_right_logical3A_285 : vector<16xi32>
      %and3A_287 = arith.constant 127 : i32
      %and3A_288 = vector.broadcast %and3A_287 : i32 to vector<16xi32>
      %and3A_289 = arith.andi %get3A_283, %and3A_288 : vector<16xi32>
      %get3A_290 = arith.constant 1 : i32
      %get3A_291 = arith.index_cast %get3A_290 : i32 to index
      %get3A_292 = arith.constant 16 : index
      %get3A_293 = tpu.vector_load %arg11[%get3A_291, %get3A_292] {strides = array<i32>} : memref<2x128xf32, #tpu.memory_space<vmem>>, vector<16xf32>,
      tpu.vector_store_idx %arg14[%shift_right_logical3A_286, %and3A_289], %get3A_293 {add = true} : memref<80x128xf32, #tpu.memory_space<vmem>>[vector<16xi32>, vector<16xi32>], vector<16xf32>,
      %get3A_294 = arith.constant 1 : i32
      %get3A_295 = arith.index_cast %get3A_294 : i32 to index
      %get3A_296 = arith.constant 32 : index
      %get3A_297 = tpu.vector_load %arg10[%get3A_295, %get3A_296] {strides = array<i32>} : memref<2x128xi32, #tpu.memory_space<vmem>>, vector<16xi32>,
      %shift_right_logical3A_298 = arith.constant 7 : i32
      %shift_right_logical3A_299 = vector.broadcast %shift_right_logical3A_298 : i32 to vector<16xi32>
      %shift_right_logical3A_300 = arith.shrui %get3A_297, %shift_right_logical3A_299 : vector<16xi32>
      %and3A_301 = arith.constant 127 : i32
      %and3A_302 = vector.broadcast %and3A_301 : i32 to vector<16xi32>
      %and3A_303 = arith.andi %get3A_297, %and3A_302 : vector<16xi32>
      %get3A_304 = arith.constant 1 : i32
      %get3A_305 = arith.index_cast %get3A_304 : i32 to index
      %get3A_306 = arith.constant 32 : index
      %get3A_307 = tpu.vector_load %arg11[%get3A_305, %get3A_306] {strides = array<i32>} : memref<2x128xf32, #tpu.memory_space<vmem>>, vector<16xf32>,
      tpu.vector_store_idx %arg14[%shift_right_logical3A_300, %and3A_303], %get3A_307 {add = true} : memref<80x128xf32, #tpu.memory_space<vmem>>[vector<16xi32>, vector<16xi32>], vector<16xf32>,
      %get3A_308 = arith.constant 1 : i32
      %get3A_309 = arith.index_cast %get3A_308 : i32 to index
      %get3A_310 = arith.constant 48 : index
      %get3A_311 = tpu.vector_load %arg10[%get3A_309, %get3A_310] {strides = array<i32>} : memref<2x128xi32, #tpu.memory_space<vmem>>, vector<16xi32>,
      %shift_right_logical3A_312 = arith.constant 7 : i32
      %shift_right_logical3A_313 = vector.broadcast %shift_right_logical3A_312 : i32 to vector<16xi32>
      %shift_right_logical3A_314 = arith.shrui %get3A_311, %shift_right_logical3A_313 : vector<16xi32>
      %and3A_315 = arith.constant 127 : i32
      %and3A_316 = vector.broadcast %and3A_315 : i32 to vector<16xi32>
      %and3A_317 = arith.andi %get3A_311, %and3A_316 : vector<16xi32>
      %get3A_318 = arith.constant 1 : i32
      %get3A_319 = arith.index_cast %get3A_318 : i32 to index
      %get3A_320 = arith.constant 48 : index
      %get3A_321 = tpu.vector_load %arg11[%get3A_319, %get3A_320] {strides = array<i32>} : memref<2x128xf32, #tpu.memory_space<vmem>>, vector<16xf32>,
      tpu.vector_store_idx %arg14[%shift_right_logical3A_314, %and3A_317], %get3A_321 {add = true} : memref<80x128xf32, #tpu.memory_space<vmem>>[vector<16xi32>, vector<16xi32>], vector<16xf32>,
      %get3A_322 = arith.constant 1 : i32
      %get3A_323 = arith.index_cast %get3A_322 : i32 to index
      %get3A_324 = arith.constant 64 : index
      %get3A_325 = tpu.vector_load %arg10[%get3A_323, %get3A_324] {strides = array<i32>} : memref<2x128xi32, #tpu.memory_space<vmem>>, vector<16xi32>,
      %shift_right_logical3A_326 = arith.constant 7 : i32
      %shift_right_logical3A_327 = vector.broadcast %shift_right_logical3A_326 : i32 to vector<16xi32>
      %shift_right_logical3A_328 = arith.shrui %get3A_325, %shift_right_logical3A_327 : vector<16xi32>
      %and3A_329 = arith.constant 127 : i32
      %and3A_330 = vector.broadcast %and3A_329 : i32 to vector<16xi32>
      %and3A_331 = arith.andi %get3A_325, %and3A_330 : vector<16xi32>
      %get3A_332 = arith.constant 1 : i32
      %get3A_333 = arith.index_cast %get3A_332 : i32 to index
      %get3A_334 = arith.constant 64 : index
      %get3A_335 = tpu.vector_load %arg11[%get3A_333, %get3A_334] {strides = array<i32>} : memref<2x128xf32, #tpu.memory_space<vmem>>, vector<16xf32>,
      tpu.vector_store_idx %arg14[%shift_right_logical3A_328, %and3A_331], %get3A_335 {add = true} : memref<80x128xf32, #tpu.memory_space<vmem>>[vector<16xi32>, vector<16xi32>], vector<16xf32>,
      %get3A_336 = arith.constant 1 : i32
      %get3A_337 = arith.index_cast %get3A_336 : i32 to index
      %get3A_338 = arith.constant 80 : index
      %get3A_339 = tpu.vector_load %arg10[%get3A_337, %get3A_338] {strides = array<i32>} : memref<2x128xi32, #tpu.memory_space<vmem>>, vector<16xi32>,
      %shift_right_logical3A_340 = arith.constant 7 : i32
      %shift_right_logical3A_341 = vector.broadcast %shift_right_logical3A_340 : i32 to vector<16xi32>
      %shift_right_logical3A_342 = arith.shrui %get3A_339, %shift_right_logical3A_341 : vector<16xi32>
      %and3A_343 = arith.constant 127 : i32
      %and3A_344 = vector.broadcast %and3A_343 : i32 to vector<16xi32>
      %and3A_345 = arith.andi %get3A_339, %and3A_344 : vector<16xi32>
      %get3A_346 = arith.constant 1 : i32
      %get3A_347 = arith.index_cast %get3A_346 : i32 to index
      %get3A_348 = arith.constant 80 : index
      %get3A_349 = tpu.vector_load %arg11[%get3A_347, %get3A_348] {strides = array<i32>} : memref<2x128xf32, #tpu.memory_space<vmem>>, vector<16xf32>,
      tpu.vector_store_idx %arg14[%shift_right_logical3A_342, %and3A_345], %get3A_349 {add = true} : memref<80x128xf32, #tpu.memory_space<vmem>>[vector<16xi32>, vector<16xi32>], vector<16xf32>,
      %get3A_350 = arith.constant 1 : i32
      %get3A_351 = arith.index_cast %get3A_350 : i32 to index
      %get3A_352 = arith.constant 96 : index
      %get3A_353 = tpu.vector_load %arg10[%get3A_351, %get3A_352] {strides = array<i32>} : memref<2x128xi32, #tpu.memory_space<vmem>>, vector<16xi32>,
      %shift_right_logical3A_354 = arith.constant 7 : i32
      %shift_right_logical3A_355 = vector.broadcast %shift_right_logical3A_354 : i32 to vector<16xi32>
      %shift_right_logical3A_356 = arith.shrui %get3A_353, %shift_right_logical3A_355 : vector<16xi32>
      %and3A_357 = arith.constant 127 : i32
      %and3A_358 = vector.broadcast %and3A_357 : i32 to vector<16xi32>
      %and3A_359 = arith.andi %get3A_353, %and3A_358 : vector<16xi32>
      %get3A_360 = arith.constant 1 : i32
      %get3A_361 = arith.index_cast %get3A_360 : i32 to index
      %get3A_362 = arith.constant 96 : index
      %get3A_363 = tpu.vector_load %arg11[%get3A_361, %get3A_362] {strides = array<i32>} : memref<2x128xf32, #tpu.memory_space<vmem>>, vector<16xf32>,
      tpu.vector_store_idx %arg14[%shift_right_logical3A_356, %and3A_359], %get3A_363 {add = true} : memref<80x128xf32, #tpu.memory_space<vmem>>[vector<16xi32>, vector<16xi32>], vector<16xf32>,
      %get3A_364 = arith.constant 1 : i32
      %get3A_365 = arith.index_cast %get3A_364 : i32 to index
      %get3A_366 = arith.constant 112 : index
      %get3A_367 = tpu.vector_load %arg10[%get3A_365, %get3A_366] {strides = array<i32>} : memref<2x128xi32, #tpu.memory_space<vmem>>, vector<16xi32>,
      %shift_right_logical3A_368 = arith.constant 7 : i32
      %shift_right_logical3A_369 = vector.broadcast %shift_right_logical3A_368 : i32 to vector<16xi32>
      %shift_right_logical3A_370 = arith.shrui %get3A_367, %shift_right_logical3A_369 : vector<16xi32>
      %and3A_371 = arith.constant 127 : i32
      %and3A_372 = vector.broadcast %and3A_371 : i32 to vector<16xi32>
      %and3A_373 = arith.andi %get3A_367, %and3A_372 : vector<16xi32>
      %get3A_374 = arith.constant 1 : i32
      %get3A_375 = arith.index_cast %get3A_374 : i32 to index
      %get3A_376 = arith.constant 112 : index
      %get3A_377 = tpu.vector_load %arg11[%get3A_375, %get3A_376] {strides = array<i32>} : memref<2x128xf32, #tpu.memory_space<vmem>>, vector<16xf32>,
      tpu.vector_store_idx %arg14[%shift_right_logical3A_370, %and3A_373], %get3A_377 {add = true} : memref<80x128xf32, #tpu.memory_space<vmem>>[vector<16xi32>, vector<16xi32>], vector<16xf32>,
      %scan3A_378 = arith.constant 0 : i32
      scf.yield %scan3A_378 : i32
    }
    %scan3A_70 = arith.constant 20 : i32
    "tpu.region"() ({
      %run_scoped3A = tpu.sem_alloc : memref<!tpu.dma_semaphore, #tpu.memory_space<semaphore_mem>>
      %dma_start3A = arith.constant 0 : i32
      %dma_start3A_81 = arith.constant 0 : i32
      %dma_start3A_82 = tpu.memref_slice %arg17[%dma_start3A, %dma_start3A_81] : memref<80x128xf32, #tpu.memory_space<vmem_shared>> -> memref<80x128xf32, #tpu.memory_space<vmem_shared>>
      tpu.enqueue_indirect_dma source(%arg14 : memref<80x128xf32, #tpu.memory_space<vmem>>) target(%dma_start3A_82 : memref<80x128xf32, #tpu.memory_space<vmem_shared>>) offsets(%arg15 : memref<80xi32, #tpu.memory_space<vmem>>) semaphore(%run_scoped3A : memref<!tpu.dma_semaphore, #tpu.memory_space<semaphore_mem>>) {add = true}
      %dma_wait3A = arith.constant 0 : i32
      %dma_wait3A_83 = arith.constant 0 : i32
      %dma_wait3A_84 = tpu.memref_slice %arg17[%dma_wait3A, %dma_wait3A_83] : memref<80x128xf32, #tpu.memory_space<vmem_shared>> -> memref<80x128xf32, #tpu.memory_space<vmem_shared>>
      tpu.wait_indirect_dma semaphore(%run_scoped3A : memref<!tpu.dma_semaphore, #tpu.memory_space<semaphore_mem>>) src(%arg14 : memref<80x128xf32, #tpu.memory_space<vmem>>) dst(%dma_wait3A_84 : memref<80x128xf32, #tpu.memory_space<vmem_shared>>)
      tpu.yield
    }) : () -> ()
    %barrier3A_71 = arith.constant 0 : index
    tpu.barrier barrier_id(%barrier3A_71)
    %mul3A_72 = arith.constant 640 : i32
    %mul3A_73 = arith.muli %arg1, %mul3A_72 : i32
    %mul3A_74 = arith.constant 640 : i32
    %mul3A_75 = arith.muli %arg1, %mul3A_74 : i32
    "tpu.region"() ({
      %run_scoped3A = tpu.sem_alloc : memref<!tpu.dma_semaphore, #tpu.memory_space<semaphore_mem>>
      %dma_start3A = arith.constant 0 : i32
      %dma_start3A_81 = tpu.memref_slice %arg7[%arg0, %mul3A_75, %dma_start3A] : memref<2x10240x128xf32, #tpu.memory_space<hbm>> -> memref<1x640x128xf32, #tpu.memory_space<hbm>>
      %dma_start3A_82 = tpu.memref_squeeze %dma_start3A_81 : memref<1x640x128xf32, #tpu.memory_space<hbm>> -> memref<640x128xf32, #tpu.memory_space<hbm>>
      %dma_start3A_83 = arith.constant 0 : i32
      %dma_start3A_84 = tpu.memref_slice %arg16[%mul3A_73, %dma_start3A_83] : memref<10240x128xf32, #tpu.memory_space<vmem_shared>> -> memref<640x128xf32, #tpu.memory_space<vmem_shared>>
      tpu.enqueue_dma source(%dma_start3A_84 : memref<640x128xf32, #tpu.memory_space<vmem_shared>>) target(%dma_start3A_82 : memref<640x128xf32, #tpu.memory_space<hbm>>) target_semaphore(%run_scoped3A : memref<!tpu.dma_semaphore, #tpu.memory_space<semaphore_mem>>)
      %dma_wait3A = arith.constant 0 : i32
      %dma_wait3A_85 = tpu.memref_slice %arg7[%arg0, %mul3A_75, %dma_wait3A] : memref<2x10240x128xf32, #tpu.memory_space<hbm>> -> memref<1x640x128xf32, #tpu.memory_space<hbm>>
      %dma_wait3A_86 = tpu.memref_squeeze %dma_wait3A_85 : memref<1x640x128xf32, #tpu.memory_space<hbm>> -> memref<640x128xf32, #tpu.memory_space<hbm>>
      %dma_wait3A_87 = arith.constant 0 : i32
      %dma_wait3A_88 = tpu.memref_slice %arg16[%mul3A_73, %dma_wait3A_87] : memref<10240x128xf32, #tpu.memory_space<vmem_shared>> -> memref<640x128xf32, #tpu.memory_space<vmem_shared>>
      tpu.wait_dma2 semaphore(%run_scoped3A : memref<!tpu.dma_semaphore, #tpu.memory_space<semaphore_mem>>) src(%dma_wait3A_88 : memref<640x128xf32, #tpu.memory_space<vmem_shared>>) dst(%dma_wait3A_86 : memref<640x128xf32, #tpu.memory_space<hbm>>)
      tpu.yield
    }) : () -> ()
    %eq3A_76 = arith.constant 0 : i32
    %eq3A_77 = arith.cmpi eq, %arg1, %eq3A_76 : i32
    %convert_element_type3A_78 = arith.extui %eq3A_77 : i1 to i32
    %cond3A_79 = arith.constant 0 : i32
    %cond3A_80 = arith.cmpi ne, %convert_element_type3A_78, %cond3A_79 : i32
    scf.if %cond3A_80 {
      "tpu.region"() ({
        %run_scoped3A = tpu.sem_alloc : memref<!tpu.dma_semaphore, #tpu.memory_space<semaphore_mem>>
        %dma_start3A = arith.constant 0 : i32
        %dma_start3A_81 = arith.constant 0 : i32
        %dma_start3A_82 = tpu.memref_slice %arg8[%arg0, %dma_start3A, %dma_start3A_81] : memref<2x80x128xf32, #tpu.memory_space<hbm>> -> memref<1x80x128xf32, #tpu.memory_space<hbm>>
        %dma_start3A_83 = tpu.memref_squeeze %dma_start3A_82 : memref<1x80x128xf32, #tpu.memory_space<hbm>> -> memref<80x128xf32, #tpu.memory_space<hbm>>
        tpu.enqueue_dma source(%arg17 : memref<80x128xf32, #tpu.memory_space<vmem_shared>>) target(%dma_start3A_83 : memref<80x128xf32, #tpu.memory_space<hbm>>) target_semaphore(%run_scoped3A : memref<!tpu.dma_semaphore, #tpu.memory_space<semaphore_mem>>)
        %dma_wait3A = arith.constant 0 : i32
        %dma_wait3A_84 = arith.constant 0 : i32
        %dma_wait3A_85 = tpu.memref_slice %arg8[%arg0, %dma_wait3A, %dma_wait3A_84] : memref<2x80x128xf32, #tpu.memory_space<hbm>> -> memref<1x80x128xf32, #tpu.memory_space<hbm>>
        %dma_wait3A_86 = tpu.memref_squeeze %dma_wait3A_85 : memref<1x80x128xf32, #tpu.memory_space<hbm>> -> memref<80x128xf32, #tpu.memory_space<hbm>>
        tpu.wait_dma2 semaphore(%run_scoped3A : memref<!tpu.dma_semaphore, #tpu.memory_space<semaphore_mem>>) src(%arg17 : memref<80x128xf32, #tpu.memory_space<vmem_shared>>) dst(%dma_wait3A_86 : memref<80x128xf32, #tpu.memory_space<hbm>>)
        tpu.yield
      }) : () -> ()
    } else {
    }
    return
  }
}

module attributes {stable_mosaic.version = 14 : i64} {
  func.func @_expb_body(%arg0: i32, %arg1: memref<4096x1xf32, #tpu.memory_space<vmem>>, %arg2: memref<4096x16xf32, #tpu.memory_space<vmem>>) attributes {dimension_semantics = [#tpu.dimension_semantics<arbitrary>], iteration_bounds = array<i64: 40>, scalar_prefetch = 0 : i64, scratch_operands = 0 : i64, tpu.core_type = #tpu.core_type<tc>, window_params = [{transform_indices = @transform_0, window_bounds = array<i64: 4096, 1>}, {transform_indices = @transform_1, window_bounds = array<i64: 4096, 16>}]} {
    %get3A = arith.constant 0 : index
    %get3A_0 = arith.constant 0 : index
    %get3A_1 = vector.load %arg1[%get3A, %get3A_0] : memref<4096x1xf32, #tpu.memory_space<vmem>>, vector<4096x1xf32>
    %exp3A = math.exp %get3A_1 : vector<4096x1xf32>
    %broadcast_in_dim3A = vector.shape_cast %exp3A : vector<4096x1xf32> to vector<4096x1xf32>
    %broadcast_in_dim3A_2 = vector.broadcast %broadcast_in_dim3A : vector<4096x1xf32> to vector<4096x16xf32>
    %swap3A = arith.constant 0 : index
    %swap3A_3 = arith.constant 0 : index
    %swap3A_4 = vector.load %arg2[%swap3A, %swap3A_3] : memref<4096x16xf32, #tpu.memory_space<vmem>>, vector<4096x16xf32>
    tpu.vector_store %arg2[%swap3A, %swap3A_3], %broadcast_in_dim3A_2 {strides = array<i32>} : memref<4096x16xf32, #tpu.memory_space<vmem>>, vector<4096x16xf32>,
    return
  }
  func.func @transform_0(%arg0: i32) -> (i32, i32) {
    %c0_i32 = arith.constant 0 : i32
    %c0_i32_0 = arith.constant 0 : i32
    return %arg0, %c0_i32 : i32, i32
  }
  func.func @transform_1(%arg0: i32) -> (i32, i32) {
    %c0_i32 = arith.constant 0 : i32
    %c0_i32_0 = arith.constant 0 : i32
    return %arg0, %c0_i32 : i32, i32
  }
}

module attributes {stable_mosaic.version = 14 : i64} {
  func.func @_prep_body(%arg0: i32, %arg1: memref<1x128xf32, #tpu.memory_space<vmem>>, %arg2: memref<5000x1xf32, #tpu.memory_space<vmem>>, %arg3: memref<5000x1xf32, #tpu.memory_space<vmem>>, %arg4: memref<128x128xf32, #tpu.memory_space<vmem>>, %arg5: memref<5000x128xf32, #tpu.memory_space<vmem>>, %arg6: memref<128x128xf32, #tpu.memory_space<vmem>>) attributes {dimension_semantics = [#tpu.dimension_semantics<arbitrary>], iteration_bounds = array<i64: 10>, scalar_prefetch = 0 : i64, scratch_operands = 0 : i64, tpu.core_type = #tpu.core_type<tc>, window_params = [{pipeline_mode = #tpu.pipeline_mode<synchronous>, transform_indices = @transform_0, window_bounds = array<i64: 1, 128>}, {transform_indices = @transform_1, window_bounds = array<i64: 5000, 1>}, {transform_indices = @transform_2, window_bounds = array<i64: 5000, 1>}, {transform_indices = @transform_3, window_bounds = array<i64: 128, 128>}, {transform_indices = @transform_4, window_bounds = array<i64: 5000, 128>}, {transform_indices = @transform_5, window_bounds = array<i64: 128, 128>}]} {
    %get3A = arith.constant 0 : index
    %get3A_0 = arith.constant 0 : index
    %get3A_1 = vector.load %arg3[%get3A, %get3A_0] : memref<5000x1xf32, #tpu.memory_space<vmem>>, vector<5000x1xf32>
    %add3A = arith.constant 5.000000e-01 : f32
    %add3A_2 = vector.broadcast %add3A : f32 to vector<5000x1xf32>
    %add3A_3 = arith.addf %get3A_1, %add3A_2 : vector<5000x1xf32>
    %get3A_4 = arith.constant 0 : index
    %get3A_5 = arith.constant 0 : index
    %get3A_6 = vector.load %arg1[%get3A_4, %get3A_5] : memref<1x128xf32, #tpu.memory_space<vmem>>, vector<1x128xf32>
    %get3A_7 = arith.constant 0 : index
    %get3A_8 = arith.constant 0 : index
    %get3A_9 = vector.load %arg2[%get3A_7, %get3A_8] : memref<5000x1xf32, #tpu.memory_space<vmem>>, vector<5000x1xf32>
    %sub3A = vector.broadcast %get3A_6 : vector<1x128xf32> to vector<5000x128xf32>
    %sub3A_10 = vector.broadcast %get3A_9 : vector<5000x1xf32> to vector<5000x128xf32>
    %sub3A_11 = arith.subf %sub3A, %sub3A_10 : vector<5000x128xf32>
    %div3A = vector.broadcast %add3A_3 : vector<5000x1xf32> to vector<5000x128xf32>
    %div3A_12 = arith.divf %sub3A_11, %div3A : vector<5000x128xf32>
    %mul3A = arith.constant -5.000000e-01 : f32
    %mul3A_13 = vector.broadcast %mul3A : f32 to vector<5000x128xf32>
    %mul3A_14 = arith.mulf %mul3A_13, %div3A_12 : vector<5000x128xf32>
    %mul3A_15 = arith.mulf %mul3A_14, %div3A_12 : vector<5000x128xf32>
    %log3A = math.log %add3A_3 : vector<5000x1xf32>
    %sub3A_16 = vector.broadcast %log3A : vector<5000x1xf32> to vector<5000x128xf32>
    %sub3A_17 = arith.subf %mul3A_15, %sub3A_16 : vector<5000x128xf32>
    %sub3A_18 = arith.constant 0.918938517 : f32
    %sub3A_19 = vector.broadcast %sub3A_18 : f32 to vector<5000x128xf32>
    %sub3A_20 = arith.subf %sub3A_17, %sub3A_19 : vector<5000x128xf32>
    %exp3A = math.exp %sub3A_20 : vector<5000x128xf32>
    %swap3A = arith.constant 0 : index
    %swap3A_21 = arith.constant 0 : index
    %swap3A_22 = vector.load %arg5[%swap3A, %swap3A_21] : memref<5000x128xf32, #tpu.memory_space<vmem>>, vector<5000x128xf32>
    tpu.vector_store %arg5[%swap3A, %swap3A_21], %exp3A {strides = array<i32>} : memref<5000x128xf32, #tpu.memory_space<vmem>>, vector<5000x128xf32>,
    %get3A_23 = arith.constant 0 : index
    %get3A_24 = arith.constant 0 : index
    %get3A_25 = vector.load %arg4[%get3A_23, %get3A_24] : memref<128x128xf32, #tpu.memory_space<vmem>>, vector<128x128xf32>
    %exp3A_26 = math.exp %get3A_25 : vector<128x128xf32>
    %swap3A_27 = arith.constant 0 : index
    %swap3A_28 = arith.constant 0 : index
    %swap3A_29 = vector.load %arg6[%swap3A_27, %swap3A_28] : memref<128x128xf32, #tpu.memory_space<vmem>>, vector<128x128xf32>
    tpu.vector_store %arg6[%swap3A_27, %swap3A_28], %exp3A_26 {strides = array<i32>} : memref<128x128xf32, #tpu.memory_space<vmem>>, vector<128x128xf32>,
    return
  }
  func.func @transform_0(%arg0: i32) -> (i32, i32) {
    %c0_i32 = arith.constant 0 : i32
    %c0_i32_0 = arith.constant 0 : i32
    %c0_i32_1 = arith.constant 0 : i32
    return %c0_i32, %c0_i32_0 : i32, i32
  }
  func.func @transform_1(%arg0: i32) -> (i32, i32) {
    %c0_i32 = arith.constant 0 : i32
    %c0_i32_0 = arith.constant 0 : i32
    return %arg0, %c0_i32 : i32, i32
  }
  func.func @transform_2(%arg0: i32) -> (i32, i32) {
    %c0_i32 = arith.constant 0 : i32
    %c0_i32_0 = arith.constant 0 : i32
    return %arg0, %c0_i32 : i32, i32
  }
  func.func @transform_3(%arg0: i32) -> (i32, i32) {
    %c0_i32 = arith.constant 0 : i32
    %c0_i32_0 = arith.constant 0 : i32
    return %arg0, %c0_i32 : i32, i32
  }
  func.func @transform_4(%arg0: i32) -> (i32, i32) {
    %c0_i32 = arith.constant 0 : i32
    %c0_i32_0 = arith.constant 0 : i32
    return %arg0, %c0_i32 : i32, i32
  }
  func.func @transform_5(%arg0: i32) -> (i32, i32) {
    %c0_i32 = arith.constant 0 : i32
    %c0_i32_0 = arith.constant 0 : i32
    return %arg0, %c0_i32 : i32, i32
  }
}

module attributes {stable_mosaic.version = 14 : i64} {
  func.func @_fin_body(%arg0: i32, %arg1: memref<2x1024x128xf32, #tpu.memory_space<vmem>>, %arg2: memref<2x8x128xf32, #tpu.memory_space<vmem>>, %arg3: memref<1024x128xf32, #tpu.memory_space<vmem>>) attributes {dimension_semantics = [#tpu.dimension_semantics<arbitrary>], iteration_bounds = array<i64: 10>, scalar_prefetch = 0 : i64, scratch_operands = 0 : i64, tpu.core_type = #tpu.core_type<tc>, window_params = [{transform_indices = @transform_0, window_bounds = array<i64: 2, 1024, 128>}, {transform_indices = @transform_1, window_bounds = array<i64: 2, 8, 128>}, {transform_indices = @transform_2, window_bounds = array<i64: 1024, 128>}]} {
    %get3A = arith.constant 0 : index
    %get3A_0 = arith.constant 0 : index
    %get3A_1 = arith.constant 0 : index
    %get3A_2 = vector.load %arg1[%get3A, %get3A_0, %get3A_1] : memref<2x1024x128xf32, #tpu.memory_space<vmem>>, vector<1x1024x128xf32>
    %get3A_3 = vector.shape_cast %get3A_2 : vector<1x1024x128xf32> to vector<1024x128xf32>
    %get3A_4 = arith.constant 1 : index
    %get3A_5 = arith.constant 0 : index
    %get3A_6 = arith.constant 0 : index
    %get3A_7 = vector.load %arg1[%get3A_4, %get3A_5, %get3A_6] : memref<2x1024x128xf32, #tpu.memory_space<vmem>>, vector<1x1024x128xf32>
    %get3A_8 = vector.shape_cast %get3A_7 : vector<1x1024x128xf32> to vector<1024x128xf32>
    %add3A = arith.addf %get3A_3, %get3A_8 : vector<1024x128xf32>
    %get3A_9 = arith.constant 0 : index
    %get3A_10 = arith.constant 0 : index
    %get3A_11 = arith.constant 0 : index
    %get3A_12 = vector.load %arg2[%get3A_9, %get3A_10, %get3A_11] : memref<2x8x128xf32, #tpu.memory_space<vmem>>, vector<1x8x128xf32>
    %get3A_13 = vector.shape_cast %get3A_12 : vector<1x8x128xf32> to vector<8x128xf32>
    %get3A_14 = arith.constant 1 : index
    %get3A_15 = arith.constant 0 : index
    %get3A_16 = arith.constant 0 : index
    %get3A_17 = vector.load %arg2[%get3A_14, %get3A_15, %get3A_16] : memref<2x8x128xf32, #tpu.memory_space<vmem>>, vector<1x8x128xf32>
    %get3A_18 = vector.shape_cast %get3A_17 : vector<1x8x128xf32> to vector<8x128xf32>
    %add3A_19 = arith.addf %get3A_13, %get3A_18 : vector<8x128xf32>
    %reshape3A = vector.shape_cast %add3A_19 : vector<8x128xf32> to vector<1024xf32>
    %log3A = math.log %add3A : vector<1024x128xf32>
    %log3A_20 = math.log %reshape3A : vector<1024xf32>
    %broadcast_in_dim3A = vector.shape_cast %log3A_20 : vector<1024xf32> to vector<1024x1xf32>
    %sub3A = vector.broadcast %broadcast_in_dim3A : vector<1024x1xf32> to vector<1024x128xf32>
    %sub3A_21 = arith.subf %log3A, %sub3A : vector<1024x128xf32>
    %swap3A = arith.constant 0 : index
    %swap3A_22 = arith.constant 0 : index
    %swap3A_23 = vector.load %arg3[%swap3A, %swap3A_22] : memref<1024x128xf32, #tpu.memory_space<vmem>>, vector<1024x128xf32>
    tpu.vector_store %arg3[%swap3A, %swap3A_22], %sub3A_21 {strides = array<i32>} : memref<1024x128xf32, #tpu.memory_space<vmem>>, vector<1024x128xf32>,
    return
  }
  func.func @transform_0(%arg0: i32) -> (i32, i32, i32) {
    %c0_i32 = arith.constant 0 : i32
    %c0_i32_0 = arith.constant 0 : i32
    %c0_i32_1 = arith.constant 0 : i32
    return %c0_i32, %arg0, %c0_i32_0 : i32, i32, i32
  }
  func.func @transform_1(%arg0: i32) -> (i32, i32, i32) {
    %c0_i32 = arith.constant 0 : i32
    %c0_i32_0 = arith.constant 0 : i32
    %c0_i32_1 = arith.constant 0 : i32
    return %c0_i32, %arg0, %c0_i32_0 : i32, i32, i32
  }
  func.func @transform_2(%arg0: i32) -> (i32, i32) {
    %c0_i32 = arith.constant 0 : i32
    %c0_i32_0 = arith.constant 0 : i32
    return %arg0, %c0_i32 : i32, i32
  }
}

</mosaic_0001>

<sc_bundles>
// kernel: kernel.6.cloned.1.call-start
scs
__scs_entry_jumppad:
0x0: {  	(pc) =	sbr.rel $0x88, $3  }
0x1: {  	(tag) =	ssettag $0x0;
	lr =	simm.s32 $0x1  }
0x2: {  	[smem:$0x3F9B] =	sst lr;
	_ =	strace $0xD0000000  }
0x3: {  	_ = 	snop  }
0x4: {  	_ = 	snop  }
0x5: {  	_ = 	snop  }
0x6: {  	_ = 	snop  }
0x7: {  	_ = 	snop  }
__scs_overlays_trampoline_lowered:
0x8: {  	[smem:$0x3FAA] =	sst s0  }
0x9: {  	[smem:$0x3FAB] =	sst s1  }
0xa: {  	[smem:$0x3FAC] =	sst s2  }
0xb: {  	[smem:$0x3FAD] =	sst s3  }
0xc: {  	[smem:$0x3FAE] =	sst s4  }
0xd: {  	[smem:$0x3FAF] =	sst s5  }
0xe: {  	[smem:$0x3FB0] =	sst s6  }
0xf: {  	[smem:$0x3FB1] =	sst s7  }
0x10: {  	[smem:$0x3FB2] =	sst s8  }
0x11: {  	[smem:$0x3FB3] =	sst s9;
	s0 =	simm.s32 @!p0 $0x0  }
0x12: {  	s1 =	sld [smem:$0x3F99];
	s0 =	simm.s32 @p0 $0x1  }
0x13: {  	[smem:$0x3FB4] =	sst s0;
	s0 =	simm.s32 @!p1 $0x0  }
0x14: {  	s2 =	sld [smem:$0x3F98];
	s0 =	simm.s32 @p1 $0x1  }
0x15: {  	[smem:$0x3FB5] =	sst s0;
	s0 =	simm.s32 @!p2 $0x0  }
0x16: {  	s3 =	sld [smem:$0x3FDB];
	s0 =	simm.s32 @p2 $0x1  }
0x17: {  	s4 =	simm.s32 $0x1BF5;
	[smem:$0x3FB7] =	sst s0  }
0x18: {  	s0 =	sld [smem:$0x3F9A];
	_ =	swait.ge [sflag:s4], $0x0  }
0x19: {  	s7 =	sld [smem:$0x3F9B]  }
0x1a: {  	s8 =	sadd.s32 $0xFFFFE003, lr  }
0x1b: {  	s9 =	sadd.s32 $0xFFFFFEF7, lr;
	s5 =	simm.s32 $0xFFFFFFFF;
	p2 =	slt.u32 s8, $0xFFFFF086  }
0x1c: {  	p1 =	slt.u32 s9, $0xF7A;
	s5 =	simm.s32 @!p2 $0x0  }
0x1d: {  	s5 =	simm.s32 @p1 $0x1;
	p0 =	seq.s32 s7, s2  }
0x1e: {  	s7 =	smul.u32 @!p0 $0xF7A, s2;
	p2 =	seq.s32 @!p0 s5, $0x0  }
0x1f: {  	s9 =	smul.u32 $0xF7A, s1;
	s8 =	simm.s32 @!p0 $0x1BF5;
	p2 =	por !p2, p0  }
0x20: {  	[sflag:s8] =	ssyncset.s32 @!p0 $0xFFFFF086;
	s6 =	sadd.s32 @!p0 s3, s7;
	s7 =	simm.s32 @!p0 $0x108  }
0x21: {  	s3 =	sadd.s32 s3, s9;
	s6 =	sadd.s32 @!p0 $0x88, s6;
	s7 =	simm.s32 @p2 $0x1082  }
0x22: {  	[simem:s7], [sflag:s8] =	dma.local @!p0 [hbm:s6], $0xF7A  }
0x23: {  	s9 =	sor.u32 $0xD0000000, s2;
	s6 =	simm.s32 $0x108;
	_ =	swait.ge @!p0 [sflag:s8], $0x0  }
0x24: {  	s3 =	sadd.s32 $0x88, s3;
	s6 =	simm.s32 @!p1 $0x1082;
	[sflag:s4] =	ssyncset.s32 $0xFFFFF086  }
0x25: {  	[simem:s6], [sflag:s4] =	dma.local [hbm:s3], $0xF7A  }
0x26: {  	[smem:$0x3F9B] =	sst s1;
	(tag) =	ssettag s2;
	_ =	strace s9  }
0x27: {  	s1 =	sld [smem:$0x3FAB]  }
0x28: {  	s2 =	sld [smem:$0x3FAC]  }
0x29: {  	s4 =	sld [smem:$0x3FAE]  }
0x2a: {  	p0 =	seq.s32 s5, $0x0;
	s5 =	sld [smem:$0x3FAF]  }
0x2b: {  	s6 =	sld [smem:$0x3FB0]  }
0x2c: {  	s7 =	sld [smem:$0x3FB1]  }
0x2d: {  	s3 =	simm.s32 $0x108;
	s8 =	sld [smem:$0x3FB2]  }
0x2e: {  	s3 =	simm.s32 @!p0 $0x1082;
	s9 =	sld [smem:$0x3FB3]  }
0x2f: {  	lr =	sadd.s32 s0, s3;
	s0 =	sld [smem:$0x3FAA]  }
0x30: {  	s3 =	sld [smem:$0x3FAD]  }
0x31: {  	[smem:$0x3FB6] =	sst s10  }
0x32: {  	s10 =	sld [smem:$0x3FB4];
	_ =	sdelay $0x3  }
0x33: {  	p0 =	seq.s32 s10, $0x1;
	s10 =	sld [smem:$0x3FB6];
	_ =	sdelay $0x3  }
0x34: {  	[smem:$0x3FB6] =	sst s10  }
0x35: {  	s10 =	sld [smem:$0x3FB5];
	_ =	sdelay $0x3  }
0x36: {  	p1 =	seq.s32 s10, $0x1;
	s10 =	sld [smem:$0x3FB6];
	_ =	sdelay $0x3  }
0x37: {  	[smem:$0x3FB6] =	sst s10  }
0x38: {  	s10 =	sld [smem:$0x3FB7]  }
0x39: {  	_ = 	snop;
	(pc) =	sbr.ind lr, $3  }
0x3a: {  	_ = 	snop  }
0x3b: {  	_ = 	snop  }
0x3c: {  	p2 =	seq.s32 s10, $0x1;
	s10 =	sld [smem:$0x3FB6]  }
0x3d: {  	_ =	shalt  }
0x3e: {  	_ =	shalt  }
0x3f: {  	_ =	shalt  }
0x40: {  	_ =	shalt  }
0x41: {  	_ =	shalt  }
0x42: {  	_ =	shalt  }
0x43: {  	_ =	shalt  }
0x44: {  	_ =	shalt  }
0x45: {  	_ =	shalt  }
0x46: {  	_ =	shalt  }
0x47: {  	_ =	shalt  }
0x48: {  	_ =	shalt  }
0x49: {  	_ =	shalt  }
0x4a: {  	_ =	shalt  }
0x4b: {  	_ =	shalt  }
0x4c: {  	_ =	shalt  }
0x4d: {  	_ =	shalt  }
0x4e: {  	_ =	shalt  }
0x4f: {  	_ =	shalt  }
0x50: {  	_ =	shalt  }
0x51: {  	_ =	shalt  }
0x52: {  	_ =	shalt  }
0x53: {  	_ =	shalt  }
0x54: {  	_ =	shalt  }
0x55: {  	_ =	shalt  }
0x56: {  	_ =	shalt  }
0x57: {  	_ =	shalt  }
0x58: {  	_ =	shalt  }
0x59: {  	_ =	shalt  }
0x5a: {  	_ =	shalt  }
0x5b: {  	_ =	shalt  }
0x5c: {  	_ =	shalt  }
0x5d: {  	_ =	shalt  }
0x5e: {  	_ =	shalt  }
0x5f: {  	_ =	shalt  }
0x60: {  	_ =	shalt  }
0x61: {  	_ =	shalt  }
0x62: {  	_ =	shalt  }
0x63: {  	_ =	shalt  }
0x64: {  	_ =	shalt  }
0x65: {  	_ =	shalt  }
0x66: {  	_ =	shalt  }
0x67: {  	_ =	shalt  }
0x68: {  	_ =	shalt  }
0x69: {  	_ =	shalt  }
0x6a: {  	_ =	shalt  }
0x6b: {  	_ =	shalt  }
0x6c: {  	_ =	shalt  }
0x6d: {  	_ =	shalt  }
0x6e: {  	_ =	shalt  }
0x6f: {  	_ =	shalt  }
0x70: {  	_ =	shalt  }
0x71: {  	_ =	shalt  }
0x72: {  	_ =	shalt  }
0x73: {  	_ =	shalt  }
0x74: {  	_ =	shalt  }
0x75: {  	_ =	shalt  }
0x76: {  	_ =	shalt  }
0x77: {  	_ =	shalt  }
0x78: {  	_ =	shalt  }
0x79: {  	_ =	shalt  }
0x7a: {  	_ =	shalt  }
0x7b: {  	_ =	shalt  }
0x7c: {  	_ =	shalt  }
0x7d: {  	_ =	shalt  }
0x7e: {  	_ =	shalt  }
0x7f: {  	_ =	shalt  }
0x80: {  	_ =	shalt  }
0x81: {  	_ =	shalt  }
0x82: {  	_ =	shalt  }
0x83: {  	_ =	shalt  }
0x84: {  	_ =	shalt  }
0x85: {  	_ =	shalt  }
0x86: {  	_ =	shalt  }
0x87: {  	_ =	shalt  }
.Lfunc_end0:
.L_simem_size_0:
called_computation_lowered:
.L_overlay_start_0:
0x88: {  	s2 =	sld [smem:$0x3FD9]  }
0x89: {  	s3 =	sld [smem:$0x3FFE];
	_ =	sdelay $0x1  }
0x8a: {  	s1 =	srdreg.scid  }
0x8b: {  	s0 =	sand.u32 $0x1, s1  }
0x8c: {  	s17 =	sshll.u32 s0, $0xA;
	s2 =	sadd.s32 s3, s2  }
0x8d: {  	s2 =	sadd.s32 s2, s17  }
0x8e: {  	[smem:$0x3FC2] =	sst s2  }
0x8f: {  	_ = 	snop  }
0x90: {  	s2 =	sld [smem:$0x3FD0];
	(tm) =	ssettm $0x1  }
0x91: {  	s18 =	sld [smem:$0x3FFB];
	_ =	sdelay $0x3  }
0x92: {  	_ =	strace s18  }
0x93: {  	s3 =	sld [smem:$0x3FFC];
	_ =	sdelay $0x3  }
0x94: {  	_ =	strace s3  }
0x95: {  	s3 =	sld [smem:$0x3FFD];
	_ =	sdelay $0x3  }
0x96: {  	_ =	strace s3  }
0x97: {  	_ =	strace $0x8FFFFFFF  }
0x98: {  	s19 =	sld [smem:$0x3FDB];
	_ =	sdelay $0x1  }
0x99: {  	s4 =	simm.s32 $_scs_section_size  }
0x9a: {  	s5 =	simm.s32 $_size__tile_overlayer_lowered;
	s6 =	simm.s32 $_tile_overlayer_lowered  }
0x9b: {  	s22 =	simm.s32 $0x1BFF;
	s21 =	sshll.u32 s6, $0x1;
	s3 =	sadd.s32 s4, s19  }
0x9c: {  	s7 =	simm.s32 $0x0;
	s20 =	sshll.u32 s5, $0x1;
	s5 =	sadd.s32 s21, s3  }
0x9d: {  	[timem:s7], [sflag:s22] =	dma.local [hbm:s5], s20  }
0x9e: {  	_ =	swait.ge [sflag:s22], s20  }
0x9f: {  	s4 =	ssub.s32 $0x0, s20;
	[sflag:s22] =	ssyncset.done $0x0  }
0xa0: {  	[sflag:s22] =	ssyncadd.s32 s4;
	_ =	sdelay $0x1  }
0xa1: {  	s23 =	simm.s32 $0x1B8B  }
0xa2: {  	_ =	swait.ge [sflag:s23], $0x1  }
0xa3: {  	[sflag:s23] =	ssyncset.done $0x0  }
0xa4: {  	s25 =	simm.s32 $0x1B8E;
	s24 =	sld [smem:$0x3FFE];
	[sflag:s23] =	ssyncadd.s32 $0xFFFFFFFF  }
0xa5: {  	s26 =	simm.s32 $execute0_lowered;
	[smem:$0x3FD2] =	sst s25  }
0xa6: {  	s5 =	sshll.u32 s26, $0x1;
	_ =	strace $0x80000046;
	[dreg:$0x1] =	wrdreg $0xFFFFFFFF  }
0xa7: {  	s28 =	simm.s32 $_size_execute0_lowered;
	s3 =	sadd.s32 s3, s5;
	[dreg:$0x0] =	wrdreg $0x0  }
0xa8: {  	s5 =	sshll.u32 s28, $0x1;
	[dreg:$0x2] =	wrdreg s3  }
0xa9: {  	[dreg:$0x3] =	wrdreg s5  }
0xaa: {  	[dreg:$0x4] =	wrdreg $0xC0  }
0xab: {  	_ =	task [dreg:s7], $0x5FFFF  }
0xac: {  	[dreg:$0x1] =	wrdreg $0xFFFFFFFF  }
0xad: {  	[dreg:$0x0] =	wrdreg $0x60  }
0xae: {  	[dreg:$0x2] =	wrdreg s2  }
0xaf: {  	[dreg:$0x3] =	wrdreg s24  }
0xb0: {  	[dreg:$0x4] =	wrdreg $0xBB800  }
0xb1: {  	[dreg:$0x5] =	wrdreg $0x1FB800  }
0xb2: {  	[dreg:$0x6] =	wrdreg $0x9  }
0xb3: {  	_ =	task.clear_ibuf [dreg:s7], $0x7FFFF;
	_ =	strace $0x90000046  }
0xb4: {  	s29 =	simm.s32 $0x9;
	_ =	strace $0x80000048  }
0xb5: {  	_ =	swait.ge [sflag:s29], $0x1  }
0xb6: {  	[sflag:s29] =	ssyncadd.s32 $0xFFFFFFFF  }
0xb7: {  	_ =	strace $0x90000048  }
0xb8: {  	_ =	sfence  }
0xb9: {  	s30 =	sld [smem:$0x0];
	_ =	sdelay $0x2  }
0xba: {  	s31 =	sshll.u32 s1, $0xD;
	s1 =	sshrl.u32 s1, $0x2  }
0xbb: {  	s3 =	sand.u32 $0x4000, s31;
	s1 =	sadd.s32 s1, s30  }
0xbc: {  	s0 =	sor.u32 s3, s0;
	s1 =	sshll.u32 s1, $0x11  }
0xbd: {  	s0 =	sor.u32 s1, s0  }
0xbe: {  	s0 =	sadd.s32 $0x8F2B, s0  }
0xbf: {  	[sflag:s0] =	ssyncadd.remote.s32 $0x1  }
0xc0: {  	_ =	sfence.sel $0xFFFF  }
0xc1: {  	[dreg:$0x0] =	wrdreg $0xFFFFFFFF;
	(pc) =	sbr.abs _section_cstart, $3  }
0xc2: {  	[dreg:$0x1] =	wrdreg $0xFFFFFFFF  }
0xc3: {  	_ =	task.clear_ibuf [dreg:s7], $0x2FFFF;
	_ =	strace $0x9FFFFFFF  }
0xc4: {  	(tm) =	ssettm $0x7FFFFFFF  }
0xc5: {  	_ =	shalt  }
tec
execute0_lowered:
.L_overlay_start_1:
0x0: {  	(tag) =	ssettag $0x1  }
0x1: {  	s1 =	rddreg [dreg:$0x0]  }
0x2: {  	s0 =	rddreg [dreg:$0x1]  }
0x3: {  	s2 =	rddreg [dreg:$0x2]  }
0x4: {  	s23 =	rddreg [dreg:$0x3]  }
0x5: {  	s3 =	srdreg.scid;
	s22 =	simm.s32 $0x0;
	s12 =	stileid.u32  }
0x6: {  	s18 =	simm.s32 $0x80;
	s31 =	simm.s32 $0xC80;
	s13 =	simm.s32 $0x1180  }
0x7: {  	s14 =	simm.s32 $0x1280;
	s16 =	simm.s32 $0x5300;
	s17 =	simm.s32 $0x1  }
0x8: {  	[smem:$0x7FF] =	sst s22;
	s5 =	smul.u32 $0x14000, s12;
	s6 =	sadd.s32 $0x188600, s0  }
0x9: {  	s3 =	sand.u32 $0x1, s3;
	s7 =	sadd.s32 $0x1D8600, s0;
	s8 =	sadd.s32 $0x1DD600, s0  }
0xa: {  	s10 =	smul.u32 $0x50000, s12;
	s9 =	sadd.s32 $0x1E2600, s0;
	s21 =	sshll.u32 s12, $0x1  }
0xb: {  	p0 =	sne.s32 s12, $0x0;
	s12 =	simm.s32 $0x1080;
	s4 =	smul.u32 $0x140000, s3  }
0xc: {  	_ =	strace $0x80000047;
	s19 =	smul.u32 $0x500, s3;
	s11 =	ssub.s32 $0x2, s3  }
0xd: {  	s3 =	sor.u32 s3, s21;
	s21 =	simm.s32 $0x100;
	s20 =	sshrl.u32 s11, $0x1  }
0xe: {  	s10 =	sshrl.u32 s10, $0x2;
	s15 =	smul.u32 $0x1400, s3;
	s3 =	simm.s32 $0x180  }
0xf: {  	s4 =	sadd.s32 s5, s4;
	s5 =	ssub.s32 s11, s20;
	s24 =	sadd.s32 s10, s2  }
0x10: {  	s20 =	simm.s32 $0x2;
	s10 =	sadd.s32 $0x4000, s24;
	[dreg:$0x6] =	wrdreg s24  }
0x11: {  	s11 =	simm.s32 $0xF80;
	s25 =	sadd.s32 $0x8000, s24;
	[dreg:$0x7] =	wrdreg s10  }
0x12: {  	s4 =	sshrl.u32 s4, $0x3;
	s26 =	sadd.s32 $0xC000, s24;
	[dreg:$0x8] =	wrdreg s25  }
0x13: {  	s28 =	sadd.s32 $0x10000, s24;
	s30 =	smax.u32 s5, $0x1;
	[dreg:$0x9] =	wrdreg s26  }
0x14: {  	s5 =	simm.s32 $0xE80;
	s4 =	sadd.s32 s4, s0;
	[dreg:$0xa] =	wrdreg s28  }
0x15: {  	v0 =	vlaneseq.u32;
	s0 =	sadd.s32 s19, s0;
	[dreg:$0xd] =	wrdreg s30;
	s29 =	sadd.s32 $0x1A00, s4  }
0x16: {  	v1 =	vimm.f32 $0.0e+00;
	v2 =	vor.u32 $0x10, v0;
	s19 =	simm.s32 $0x1300;
	s0 =	sadd.s32 $0x51A00, s0;
	[dreg:$0xb] =	wrdreg s29  }
0x17: {  	v3 =	vor.u32 $0x20, v0;
	v4 =	vor.u32 $0x30, v0;
	v5 =	vor.u32 $0x40, v0;
	s10 =	simm.s32 $0x9300;
	[dreg:$0xc] =	wrdreg s0;
	s0 =	simm.s32 $0xD80  }
.LBB2_1:
0x18: {  	[dreg:$0x5] =	wrdreg s22;
	s4 =	simm.s32 $0x0;
	s22 =	simm.s32 $0x200  }
.LBB2_2:
0x19: {  	p1 =	sne.s32 s22, $0xFE00;
	[tilespmem:s4+$0x1370] =	vst v1  }
0x1a: {  	[tilespmem:s4+$0x1300] =	vst v1  }
0x1b: {  	[tilespmem:s4+$0x1310] =	vst v1  }
.Ltmp0:
0x1c: {  	[tilespmem:s4+$0x1320] =	vst v1;
	(pc) =	sbr.rel @p1 .LBB2_2-.Ltmp0, $4  }
0x1d: {  	[tilespmem:s4+$0x1330] =	vst v1  }
0x1e: {  	[tilespmem:s4+$0x1340] =	vst v1  }
0x1f: {  	[tilespmem:s4+$0x1350] =	vst v1  }
0x20: {  	[tilespmem:s4+$0x1360] =	vst v1;
	s4 =	sshra.s32 s22, $0x2;
	s22 =	sadd.s32 $0x200, s22  }
0x21: {  	[tilespmem:s4+$0x1370] =	vst v1  }
0x22: {  	[tilespmem:s4+$0x1300] =	vst v1  }
0x23: {  	[tilespmem:s4+$0x1310] =	vst v1  }
0x24: {  	[tilespmem:s4+$0x1320] =	vst v1  }
0x25: {  	[tilespmem:s4+$0x1330] =	vst v1  }
0x26: {  	[tilespmem:s4+$0x1340] =	vst v1  }
0x27: {  	[tilespmem:s4+$0x1350] =	vst v1  }
0x28: {  	[tilespmem:s4+$0x1360] =	vst v1  }
0x29: {  	[spmem:s24] =	stream.linear.scatter [tilespmem:s19], [sflag:$0x2], $0x4000, $0x38;
	[tilespmem:$0x1FE00] =	vst v63  }
0x2a: {  	_ =	swait.ge [sflag:s20], $0x4000  }
0x2b: {  	[sflag:s20] =	ssyncset.done $0x0  }
0x2c: {  	s26 =	rddreg [dreg:$0x7];
	[sflag:s20] =	ssyncadd.s32 $0xFFFFC000  }
0x2d: {  	[spmem:s26] =	stream.linear.scatter [tilespmem:s19], [sflag:$0x2], $0x4000, $0x38;
	[tilespmem:$0x1FE00] =	vst v63  }
0x2e: {  	_ =	swait.ge [sflag:s20], $0x4000  }
0x2f: {  	[sflag:s20] =	ssyncset.done $0x0  }
0x30: {  	s28 =	rddreg [dreg:$0x8];
	[sflag:s20] =	ssyncadd.s32 $0xFFFFC000  }
0x31: {  	[spmem:s28] =	stream.linear.scatter [tilespmem:s19], [sflag:$0x2], $0x4000, $0x38;
	[tilespmem:$0x1FE00] =	vst v63  }
0x32: {  	_ =	swait.ge [sflag:s20], $0x4000  }
0x33: {  	[sflag:s20] =	ssyncset.done $0x0  }
0x34: {  	s29 =	rddreg [dreg:$0x9];
	[sflag:s20] =	ssyncadd.s32 $0xFFFFC000  }
0x35: {  	[spmem:s29] =	stream.linear.scatter [tilespmem:s19], [sflag:$0x2], $0x4000, $0x38;
	[tilespmem:$0x1FE00] =	vst v63  }
0x36: {  	_ =	swait.ge [sflag:s20], $0x4000  }
0x37: {  	[sflag:s20] =	ssyncset.done $0x0  }
0x38: {  	s30 =	rddreg [dreg:$0xa];
	[sflag:s20] =	ssyncadd.s32 $0xFFFFC000  }
0x39: {  	[spmem:s30] =	stream.linear.scatter [tilespmem:s19], [sflag:$0x2], $0x4000, $0x38;
	[tilespmem:$0x1FE00] =	vst v63  }
0x3a: {  	_ =	swait.ge [sflag:s20], $0x4000  }
0x3b: {  	[sflag:s20] =	ssyncset.done $0x0  }
0x3c: {  	s4 =	simm.s32 $0x0;
	s22 =	simm.s32 $0x200;
	[sflag:s20] =	ssyncadd.s32 $0xFFFFC000  }
.LBB2_4:
0x3d: {  	p1 =	sne.s32 s22, $0x9E00;
	[tilespmem:s4+$0x9370] =	vst v1  }
0x3e: {  	[tilespmem:s4+$0x9300] =	vst v1  }
0x3f: {  	[tilespmem:s4+$0x9310] =	vst v1  }
.Ltmp1:
0x40: {  	[tilespmem:s4+$0x9320] =	vst v1;
	(pc) =	sbr.rel @p1 .LBB2_4-.Ltmp1, $4  }
0x41: {  	[tilespmem:s4+$0x9330] =	vst v1  }
0x42: {  	[tilespmem:s4+$0x9340] =	vst v1  }
0x43: {  	[tilespmem:s4+$0x9350] =	vst v1  }
0x44: {  	[tilespmem:s4+$0x9360] =	vst v1;
	s4 =	sshra.s32 s22, $0x2;
	s22 =	sadd.s32 $0x200, s22  }
0x45: {  	[tilespmem:s4+$0x9370] =	vst v1  }
0x46: {  	[tilespmem:s4+$0x9300] =	vst v1  }
0x47: {  	[tilespmem:s4+$0x9310] =	vst v1  }
0x48: {  	[tilespmem:s4+$0x9320] =	vst v1  }
0x49: {  	[tilespmem:s4+$0x9330] =	vst v1  }
0x4a: {  	[tilespmem:s4+$0x9340] =	vst v1  }
0x4b: {  	[tilespmem:s4+$0x9350] =	vst v1  }
0x4c: {  	[tilespmem:s4+$0x9360] =	vst v1  }
0x4d: {  	[tilespmem:$0xBB00] =	vst v0  }
0x4e: {  	[tilespmem:$0xBB10] =	vst v2  }
0x4f: {  	[tilespmem:$0xBB20] =	vst v3  }
0x50: {  	[tilespmem:$0xBB30] =	vst v4  }
0x51: {  	s4 =	simm.s32 @!p0 $0x1300;
	[tilespmem:$0xBB40] =	vst v5  }
0x52: {  	[spmem:s23] =	stream.linear.scatter @!p0 [tilespmem:s4], [sflag:$0x2], $0x2800, $0x38;
	[tilespmem:$0x1FE00] =	vst v63  }
0x53: {  	s4 =	simm.s32 @!p0 $0x2  }
0x54: {  	_ =	swait.ge @!p0 [sflag:s4], $0x2800  }
0x55: {  	[sflag:s4] =	ssyncset.done @!p0 $0x0  }
0x56: {  	[sflag:s4] =	ssyncadd.s32 @!p0 $0xFFFFD800  }
0x57: {  	s22 =	simm.s32 $0x0;
	s4 =	simm.s32 $0x0;
	[bflag:$0x0] =	sbarrier.arrive $0xFFFF  }
.LBB2_6:
0x58: {  	s23 =	sshll.u32 s22, $0x8  }
0x59: {  	s23 =	sadd.s32 s15, s23  }
0x5a: {  	s24 =	sshrl.u32 s23, $0x3  }
0x5b: {  	s25 =	sadd.s32 s8, s24  }
0x5c: {  	[tilespmem:s4], [sflag:$0x2] =	stream.linear.gather [hbm4b:s25+s4], $0x80, $0x38;
	[tilespmem:$0x1FE00] =	vst v63  }
0x5d: {  	_ =	swait.ge [sflag:s20], $0x80  }
0x5e: {  	[sflag:s20] =	ssyncset.done $0x0  }
0x5f: {  	s29 =	sadd.s32 s7, s24;
	[sflag:s20] =	ssyncadd.s32 $0xFFFFFF80  }
0x60: {  	[tilespmem:s21], [sflag:$0x2] =	stream.linear.gather [hbm4b:s29+s4], $0x80, $0x38;
	[tilespmem:$0x1FE00] =	vst v63  }
0x61: {  	_ =	swait.ge [sflag:s20], $0x80  }
0x62: {  	[sflag:s20] =	ssyncset.done $0x0  }
0x63: {  	s30 =	simm.s32 $0x200;
	s24 =	sadd.s32 s1, s24;
	[sflag:s20] =	ssyncadd.s32 $0xFFFFFF80  }
0x64: {  	[tilespmem:s30], [sflag:$0x2] =	stream.linear.gather [hbm4b:s24+s4], $0x80, $0x38;
	[tilespmem:$0x1FE00] =	vst v63  }
0x65: {  	_ =	swait.ge [sflag:s20], $0x80  }
0x66: {  	s25 =	sshll.u32 s23, $0x1;
	[sflag:s20] =	ssyncset.done $0x0  }
0x67: {  	s26 =	simm.s32 $0x300;
	s24 =	sadd.s32 s6, s25;
	[sflag:s20] =	ssyncadd.s32 $0xFFFFFF80  }
0x68: {  	[tilespmem:s26], [sflag:$0x2] =	stream.linear.gather [hbm4b:s24+s4], $0x80, $0x38;
	[tilespmem:$0x1FE00] =	vst v63  }
0x69: {  	s28 =	sadd.s32 $0x10, s24;
	s26 =	simm.s32 $0x400  }
0x6a: {  	[tilespmem:s26], [sflag:$0x2] =	stream.linear.gather [hbm4b:s28+s4], $0x80, $0x38;
	[tilespmem:$0x1FE00] =	vst v63  }
0x6b: {  	s30 =	simm.s32 $0x500;
	s29 =	sadd.s32 $0x20, s24  }
0x6c: {  	[tilespmem:s30], [sflag:$0x2] =	stream.linear.gather [hbm4b:s29+s4], $0x80, $0x38;
	[tilespmem:$0x1FE00] =	vst v63  }
0x6d: {  	s26 =	sadd.s32 $0x30, s24;
	s28 =	simm.s32 $0x600  }
0x6e: {  	[tilespmem:s28], [sflag:$0x2] =	stream.linear.gather [hbm4b:s26+s4], $0x80, $0x38;
	[tilespmem:$0x1FE00] =	vst v63  }
0x6f: {  	s29 =	sadd.s32 $0x40, s24;
	s30 =	simm.s32 $0x700  }
0x70: {  	[tilespmem:s30], [sflag:$0x2] =	stream.linear.gather [hbm4b:s29+s4], $0x80, $0x38;
	[tilespmem:$0x1FE00] =	vst v63  }
0x71: {  	s26 =	sadd.s32 $0x50, s24;
	s28 =	simm.s32 $0x800  }
0x72: {  	[tilespmem:s28], [sflag:$0x2] =	stream.linear.gather [hbm4b:s26+s4], $0x80, $0x38;
	[tilespmem:$0x1FE00] =	vst v63  }
0x73: {  	s29 =	sadd.s32 $0x60, s24;
	s30 =	simm.s32 $0x900  }
0x74: {  	[tilespmem:s30], [sflag:$0x2] =	stream.linear.gather [hbm4b:s29+s4], $0x80, $0x38;
	[tilespmem:$0x1FE00] =	vst v63  }
0x75: {  	s26 =	sadd.s32 $0x70, s24;
	s28 =	simm.s32 $0xA00  }
0x76: {  	[tilespmem:s28], [sflag:$0x2] =	stream.linear.gather [hbm4b:s26+s4], $0x80, $0x38;
	[tilespmem:$0x1FE00] =	vst v63  }
0x77: {  	s29 =	sadd.s32 $0x80, s24;
	s30 =	simm.s32 $0xB00  }
0x78: {  	[tilespmem:s30], [sflag:$0x2] =	stream.linear.gather [hbm4b:s29+s4], $0x80, $0x38;
	[tilespmem:$0x1FE00] =	vst v63  }
0x79: {  	s26 =	sadd.s32 $0x90, s24;
	s28 =	simm.s32 $0xC00  }
0x7a: {  	[tilespmem:s28], [sflag:$0x2] =	stream.linear.gather [hbm4b:s26+s4], $0x80, $0x38;
	[tilespmem:$0x1FE00] =	vst v63  }
0x7b: {  	s29 =	sadd.s32 $0xA0, s24;
	s30 =	simm.s32 $0xD00  }
0x7c: {  	[tilespmem:s30], [sflag:$0x2] =	stream.linear.gather [hbm4b:s29+s4], $0x80, $0x38;
	[tilespmem:$0x1FE00] =	vst v63  }
0x7d: {  	s26 =	sadd.s32 $0xB0, s24;
	s28 =	simm.s32 $0xE00  }
0x7e: {  	[tilespmem:s28], [sflag:$0x2] =	stream.linear.gather [hbm4b:s26+s4], $0x80, $0x38;
	[tilespmem:$0x1FE00] =	vst v63  }
0x7f: {  	s29 =	sadd.s32 $0xC0, s24;
	s30 =	simm.s32 $0xF00  }
0x80: {  	[tilespmem:s30], [sflag:$0x2] =	stream.linear.gather [hbm4b:s29+s4], $0x80, $0x38;
	[tilespmem:$0x1FE00] =	vst v63  }
0x81: {  	s26 =	sadd.s32 $0xD0, s24;
	s28 =	simm.s32 $0x1000  }
0x82: {  	[tilespmem:s28], [sflag:$0x2] =	stream.linear.gather [hbm4b:s26+s4], $0x80, $0x38;
	[tilespmem:$0x1FE00] =	vst v63  }
0x83: {  	s29 =	sadd.s32 $0xE0, s24;
	s30 =	simm.s32 $0x1100  }
0x84: {  	[tilespmem:s30], [sflag:$0x2] =	stream.linear.gather [hbm4b:s29+s4], $0x80, $0x38;
	[tilespmem:$0x1FE00] =	vst v63  }
0x85: {  	s24 =	sadd.s32 $0xF0, s24;
	s26 =	simm.s32 $0x1200  }
0x86: {  	[tilespmem:s26], [sflag:$0x2] =	stream.linear.gather [hbm4b:s24+s4], $0x80, $0x38;
	[tilespmem:$0x1FE00] =	vst v63  }
0x87: {  	_ =	swait.ge [sflag:s20], $0x800  }
0x88: {  	s23 =	sor.u32 $0x80, s23;
	[sflag:s20] =	ssyncset.done $0x0  }
0x89: {  	s28 =	sshrl.u32 s23, $0x3;
	[sflag:s20] =	ssyncadd.s32 $0xFFFFF800  }
0x8a: {  	[tilespmem:s19], [sflag:$0x1] =	stream.indirect.gather [hbm4b:s9+s18], $0x80, s4, s18, $0xb8;
	[tilespmem:$0x1FE00] =	vst v63  }
0x8b: {  	s29 =	sadd.s32 s8, s28  }
0x8c: {  	[tilespmem:s18], [sflag:$0x2] =	stream.linear.gather [hbm4b:s29+s4], $0x80, $0x38;
	[tilespmem:$0x1FE00] =	vst v63  }
0x8d: {  	_ =	swait.ge [sflag:s20], $0x80  }
0x8e: {  	[sflag:s20] =	ssyncset.done $0x0  }
0x8f: {  	s30 =	sadd.s32 s7, s28;
	[sflag:s20] =	ssyncadd.s32 $0xFFFFFF80  }
0x90: {  	[tilespmem:s3], [sflag:$0x2] =	stream.linear.gather [hbm4b:s30+s4], $0x80, $0x38;
	[tilespmem:$0x1FE00] =	vst v63  }
0x91: {  	_ =	swait.ge [sflag:s20], $0x80  }
0x92: {  	[sflag:s20] =	ssyncset.done $0x0  }
0x93: {  	s24 =	sadd.s32 s1, s28;
	s26 =	simm.s32 $0x280;
	[sflag:s20] =	ssyncadd.s32 $0xFFFFFF80  }
0x94: {  	[tilespmem:s26], [sflag:$0x2] =	stream.linear.gather [hbm4b:s24+s4], $0x80, $0x38;
	[tilespmem:$0x1FE00] =	vst v63  }
0x95: {  	s23 =	sshll.u32 s23, $0x1;
	_ =	swait.ge [sflag:s20], $0x80  }
0x96: {  	s23 =	sand.u32 $0x1FFFFF00, s23;
	[sflag:s20] =	ssyncset.done $0x0  }
0x97: {  	s23 =	sadd.s32 s6, s23;
	s28 =	simm.s32 $0x380;
	[sflag:s20] =	ssyncadd.s32 $0xFFFFFF80  }
0x98: {  	[tilespmem:s28], [sflag:$0x2] =	stream.linear.gather [hbm4b:s23+s4], $0x80, $0x38;
	[tilespmem:$0x1FE00] =	vst v63  }
0x99: {  	s29 =	sadd.s32 $0x10, s23;
	s30 =	simm.s32 $0x480  }
0x9a: {  	[tilespmem:s30], [sflag:$0x2] =	stream.linear.gather [hbm4b:s29+s4], $0x80, $0x38;
	[tilespmem:$0x1FE00] =	vst v63  }
0x9b: {  	s26 =	sadd.s32 $0x20, s23;
	s28 =	simm.s32 $0x580  }
0x9c: {  	[tilespmem:s28], [sflag:$0x2] =	stream.linear.gather [hbm4b:s26+s4], $0x80, $0x38;
	[tilespmem:$0x1FE00] =	vst v63  }
0x9d: {  	s29 =	sadd.s32 $0x30, s23;
	s30 =	simm.s32 $0x680  }
0x9e: {  	[tilespmem:s30], [sflag:$0x2] =	stream.linear.gather [hbm4b:s29+s4], $0x80, $0x38;
	[tilespmem:$0x1FE00] =	vst v63  }
0x9f: {  	s26 =	sadd.s32 $0x40, s23;
	s28 =	simm.s32 $0x780  }
0xa0: {  	[tilespmem:s28], [sflag:$0x2] =	stream.linear.gather [hbm4b:s26+s4], $0x80, $0x38;
	[tilespmem:$0x1FE00] =	vst v63  }
0xa1: {  	s29 =	sadd.s32 $0x50, s23;
	s30 =	simm.s32 $0x880  }
0xa2: {  	[tilespmem:s30], [sflag:$0x2] =	stream.linear.gather [hbm4b:s29+s4], $0x80, $0x38;
	[tilespmem:$0x1FE00] =	vst v63  }
0xa3: {  	s26 =	sadd.s32 $0x60, s23;
	s28 =	simm.s32 $0x980  }
0xa4: {  	[tilespmem:s28], [sflag:$0x2] =	stream.linear.gather [hbm4b:s26+s4], $0x80, $0x38;
	[tilespmem:$0x1FE00] =	vst v63  }
0xa5: {  	s29 =	sadd.s32 $0x70, s23;
	s30 =	simm.s32 $0xA80  }
0xa6: {  	[tilespmem:s30], [sflag:$0x2] =	stream.linear.gather [hbm4b:s29+s4], $0x80, $0x38;
	[tilespmem:$0x1FE00] =	vst v63  }
0xa7: {  	s25 =	sadd.s32 $0x80, s23;
	s26 =	simm.s32 $0xB80  }
0xa8: {  	[tilespmem:s26], [sflag:$0x2] =	stream.linear.gather [hbm4b:s25+s4], $0x80, $0x38;
	[tilespmem:$0x1FE00] =	vst v63  }
0xa9: {  	s28 =	sadd.s32 $0x90, s23  }
0xaa: {  	[tilespmem:s31], [sflag:$0x2] =	stream.linear.gather [hbm4b:s28+s4], $0x80, $0x38;
	[tilespmem:$0x1FE00] =	vst v63  }
0xab: {  	s29 =	sadd.s32 $0xA0, s23  }
0xac: {  	[tilespmem:s0], [sflag:$0x2] =	stream.linear.gather [hbm4b:s29+s4], $0x80, $0x38;
	[tilespmem:$0x1FE00] =	vst v63  }
0xad: {  	s30 =	sadd.s32 $0xB0, s23  }
0xae: {  	[tilespmem:s5], [sflag:$0x2] =	stream.linear.gather [hbm4b:s30+s4], $0x80, $0x38;
	[tilespmem:$0x1FE00] =	vst v63  }
0xaf: {  	s25 =	sadd.s32 $0xC0, s23  }
0xb0: {  	[tilespmem:s11], [sflag:$0x2] =	stream.linear.gather [hbm4b:s25+s4], $0x80, $0x38;
	[tilespmem:$0x1FE00] =	vst v63  }
0xb1: {  	s26 =	sadd.s32 $0xD0, s23  }
0xb2: {  	[tilespmem:s12], [sflag:$0x2] =	stream.linear.gather [hbm4b:s26+s4], $0x80, $0x38;
	[tilespmem:$0x1FE00] =	vst v63  }
0xb3: {  	s28 =	sadd.s32 $0xE0, s23  }
0xb4: {  	[tilespmem:s13], [sflag:$0x2] =	stream.linear.gather [hbm4b:s28+s4], $0x80, $0x38;
	[tilespmem:$0x1FE00] =	vst v63  }
0xb5: {  	s23 =	sadd.s32 $0xF0, s23  }
0xb6: {  	[tilespmem:s14], [sflag:$0x2] =	stream.linear.gather [hbm4b:s23+s4], $0x80, $0x38;
	[tilespmem:$0x1FE00] =	vst v63  }
0xb7: {  	_ =	swait.ge [sflag:s20], $0x800  }
0xb8: {  	[sflag:s20] =	ssyncset.done $0x0  }
0xb9: {  	[sflag:s20] =	ssyncadd.s32 $0xFFFFF800  }
0xba: {  	[tilespmem:s16], [sflag:$0x1] =	stream.indirect.gather [hbm4b:s9+s18], $0x80, s18, s18, $0xb8;
	[tilespmem:$0x1FE00] =	vst v63  }
0xbb: {  	_ =	swait.ge [sflag:s17], $0x4000  }
0xbc: {  	[sflag:s17] =	ssyncset.done $0x0  }
0xbd: {  	[sflag:s17] =	ssyncadd.s32 $0xFFFFC000  }
0xbe: {  	_ =	swait.ge [sflag:s17], $0x4000  }
0xbf: {  	[sflag:s17] =	ssyncset.done $0x0  }
0xc0: {  	s23 =	simm.s32 $0x1340;
	[sflag:s17] =	ssyncadd.s32 $0xFFFFC000  }
0xc1: {  	v10 =	vld [tilespmem:s23+$0xFFFFFFC0]  }
0xc2: {  	s29 =	sand.u32 $0x70, s4;
	s30 =	sand.u32 $0xF00, s4;
	v13 =	vld [tilespmem:s23+$0x20]  }
0xc3: {  	s24 =	sor.u32 s29, s30;
	v11 =	vld [tilespmem:s23+$0x30]  }
0xc4: {  	v8 =	vld [tilespmem:s24+$0x300]  }
0xc5: {  	v15 =	vld [tilespmem:s23+$0xFFFFFFD0]  }
0xc6: {  	v6 =	vld [tilespmem:s23+$0xFFFFFFF0]  }
0xc7: {  	v7 =	vld [tilespmem:s23+$0x0]  }
0xc8: {  	v9 =	vld [tilespmem:s23+$0xFFFFFFE0]  }
0xc9: {  	v12 =	vmul.f32 v11, v8;
	v11 =	vld [tilespmem:s23+$0x10];
	_ =	sdelay $0x1  }
0xca: {  	v14 =	vmul.f32 v10, v8  }
0xcb: {  	s25 =	simm.s32 $0x0;
	s26 =	simm.s32 $0x1340;
	s24 =	simm.s32 $0x10;
	v10 =	vmul.f32 v15, v8;
	v13 =	vmul.f32 v13, v8  }
.LBB2_7:
0xcc: {  	p1 =	sne.s32 s24, $0x7F0;
	[tilespmem:s23+$0xFFFFFFC0] =	vst v14;
	v9 =	vmul.f32 v9, v8;
	v14 =	vmul.f32 v6, v8;
	s25 =	sadd.s32 $0x20, s25;
	s26 =	sadd.s32 $0x80, s26  }
0xcd: {  	v7 =	vmul.f32 v7, v8;
	s28 =	smov.u32 s24;
	s24 =	sadd.s32 $0x10, s24;
	v8 =	vmul.f32 v11, v8;
	[tilespmem:s23+$0x30] =	vst v12  }
0xce: {  	[tilespmem:s23+$0x20] =	vst v13  }
0xcf: {  	v6 =	vld [tilespmem:s26+$0xFFFFFFF0];
	[tilespmem:s23+$0xFFFFFFD0] =	vst v10  }
0xd0: {  	v10 =	vld [tilespmem:s26+$0xFFFFFFC0];
	[tilespmem:s23+$0x0] =	vst v7  }
0xd1: {  	v7 =	vld [tilespmem:s26+$0x0];
	[tilespmem:s23+$0x10] =	vst v8  }
0xd2: {  	s28 =	sand.u32 $0x70, s28;
	s29 =	sand.u32 $0xF00, s25;
	v13 =	vld [tilespmem:s26+$0x20];
	[tilespmem:s23+$0xFFFFFFF0] =	vst v14  }
0xd3: {  	s28 =	sor.u32 s28, s29;
	v12 =	vld [tilespmem:s26+$0x30];
	[tilespmem:s23+$0xFFFFFFE0] =	vst v9;
	s23 =	smov.u32 s26  }
0xd4: {  	v8 =	vld [tilespmem:s28+$0x300]  }
0xd5: {  	v15 =	vld [tilespmem:s26+$0xFFFFFFD0]  }
.Ltmp2:
0xd6: {  	v9 =	vld [tilespmem:s26+$0xFFFFFFE0];
	(pc) =	sbr.rel @p1 .LBB2_7-.Ltmp2, $3  }
0xd7: {  	v11 =	vld [tilespmem:s26+$0x10];
	_ =	sdelay $0x1  }
0xd8: {  	v14 =	vmul.f32 v10, v8;
	v12 =	vmul.f32 v12, v8  }
0xd9: {  	v13 =	vmul.f32 v13, v8;
	v10 =	vmul.f32 v15, v8  }
0xda: {  	[tilespmem:s23+$0xFFFFFFC0] =	vst v14  }
0xdb: {  	[tilespmem:s23+$0x30] =	vst v12  }
0xdc: {  	v7 =	vmul.f32 v7, v8;
	[tilespmem:s23+$0x20] =	vst v13  }
0xdd: {  	v6 =	vmul.f32 v6, v8;
	[tilespmem:s23+$0xFFFFFFD0] =	vst v10  }
0xde: {  	v11 =	vmul.f32 v11, v8;
	[tilespmem:s23+$0x0] =	vst v7  }
0xdf: {  	v7 =	vmul.f32 v9, v8;
	[tilespmem:s23+$0xFFFFFFF0] =	vst v6  }
0xe0: {  	[tilespmem:s23+$0x10] =	vst v11  }
0xe1: {  	[tilespmem:s23+$0xFFFFFFE0] =	vst v7  }
0xe2: {  	[spmem:s2] =	stream.indirect.scatter.add.f32 [tilespmem:s19], [sflag:$0x2], $0x80, s21, s18, $0xb8;
	[tilespmem:$0x1FE00] =	vst v63  }
0xe3: {  	_ =	swait.ge [sflag:s20], $0x4000  }
0xe4: {  	[sflag:s20] =	ssyncset.done $0x0  }
0xe5: {  	[sflag:s20] =	ssyncadd.s32 $0xFFFFC000  }
0xe6: {  	v6 =	vld [tilespmem:$0x100];
	_ =	sdelay $0x2  }
0xe7: {  	v7 =	vld [tilespmem:$0x200];
	_ =	sdelay $0x4  }
0xe8: {  	[tilespmem:v6+s10+$0x0] =	vst.idx.add.f32.msk $0xffff, v7  }
0xe9: {  	v6 =	vld [tilespmem:$0x110];
	_ =	sdelay $0x2  }
0xea: {  	v7 =	vld [tilespmem:$0x210];
	_ =	sdelay $0x4  }
0xeb: {  	[tilespmem:v6+s10+$0x0] =	vst.idx.add.f32.msk $0xffff, v7  }
0xec: {  	v6 =	vld [tilespmem:$0x120];
	_ =	sdelay $0x2  }
0xed: {  	v7 =	vld [tilespmem:$0x220];
	_ =	sdelay $0x4  }
0xee: {  	[tilespmem:v6+s10+$0x0] =	vst.idx.add.f32.msk $0xffff, v7  }
0xef: {  	v6 =	vld [tilespmem:$0x130];
	_ =	sdelay $0x2  }
0xf0: {  	v7 =	vld [tilespmem:$0x230];
	_ =	sdelay $0x4  }
0xf1: {  	[tilespmem:v6+s10+$0x0] =	vst.idx.add.f32.msk $0xffff, v7  }
0xf2: {  	v6 =	vld [tilespmem:$0x140];
	_ =	sdelay $0x2  }
0xf3: {  	v7 =	vld [tilespmem:$0x240];
	_ =	sdelay $0x4  }
0xf4: {  	[tilespmem:v6+s10+$0x0] =	vst.idx.add.f32.msk $0xffff, v7  }
0xf5: {  	v6 =	vld [tilespmem:$0x150];
	_ =	sdelay $0x2  }
0xf6: {  	v7 =	vld [tilespmem:$0x250];
	_ =	sdelay $0x4  }
0xf7: {  	[tilespmem:v6+s10+$0x0] =	vst.idx.add.f32.msk $0xffff, v7  }
0xf8: {  	v6 =	vld [tilespmem:$0x160];
	_ =	sdelay $0x2  }
0xf9: {  	v7 =	vld [tilespmem:$0x260];
	_ =	sdelay $0x4  }
0xfa: {  	[tilespmem:v6+s10+$0x0] =	vst.idx.add.f32.msk $0xffff, v7  }
0xfb: {  	v6 =	vld [tilespmem:$0x170];
	_ =	sdelay $0x2  }
0xfc: {  	v7 =	vld [tilespmem:$0x270];
	_ =	sdelay $0x4  }
0xfd: {  	s23 =	simm.s32 $0x0;
	[tilespmem:v6+s10+$0x0] =	vst.idx.add.f32.msk $0xffff, v7  }
0xfe: {  	v6 =	vld [tilespmem:s23+$0x5350]  }
0xff: {  	s24 =	simm.s32 $0x0;
	v9 =	vld [tilespmem:s23+$0x5360]  }
0x100: {  	s25 =	sand.u32 $0x70, s24;
	s26 =	sand.u32 $0xF00, s24;
	v7 =	vld [tilespmem:s23+$0x5300]  }
0x101: {  	s25 =	sor.u32 s25, s26;
	v12 =	vld [tilespmem:s23+$0x5330]  }
0x102: {  	v8 =	vld [tilespmem:s25+$0x380]  }
0x103: {  	v13 =	vld [tilespmem:s23+$0x5370]  }
0x104: {  	v11 =	vld [tilespmem:s23+$0x5340]  }
0x105: {  	s26 =	simm.s32 $0x0;
	s25 =	simm.s32 $0x200;
	v10 =	vld [tilespmem:s23+$0x5320]  }
.LBB2_9:
0x106: {  	p1 =	sne.s32 s25, $0xFE00;
	v14 =	vld [tilespmem:s23+$0x5310];
	s24 =	sadd.s32 $0x20, s24;
	s26 =	sadd.s32 $0x10, s26  }
0x107: {  	s28 =	smov.u32 s25;
	s25 =	sadd.s32 $0x200, s25;
	v12 =	vmul.f32 v12, v8  }
0x108: {  	v13 =	vmul.f32 v13, v8  }
0x109: {  	v9 =	vmul.f32 v9, v8;
	[tilespmem:s23+$0x5330] =	vst v12;
	v11 =	vmul.f32 v11, v8  }
0x10a: {  	v6 =	vmul.f32 v6, v8;
	v10 =	vmul.f32 v10, v8;
	[tilespmem:s23+$0x5370] =	vst v13  }
0x10b: {  	v7 =	vmul.f32 v7, v8;
	v8 =	vmul.f32 v14, v8;
	[tilespmem:s23+$0x5360] =	vst v9  }
0x10c: {  	s29 =	sand.u32 $0x70, s26;
	s30 =	sand.u32 $0xF00, s24;
	s28 =	sshra.s32 s28, $0x2;
	[tilespmem:s23+$0x5350] =	vst v6  }
0x10d: {  	s29 =	sor.u32 s29, s30;
	v6 =	vld [tilespmem:s28+$0x5350];
	[tilespmem:s23+$0x5340] =	vst v11  }
0x10e: {  	v9 =	vld [tilespmem:s28+$0x5360];
	[tilespmem:s23+$0x5300] =	vst v7  }
0x10f: {  	v7 =	vld [tilespmem:s28+$0x5300];
	[tilespmem:s23+$0x5310] =	vst v8  }
.Ltmp3:
0x110: {  	v12 =	vld [tilespmem:s28+$0x5330];
	[tilespmem:s23+$0x5320] =	vst v10;
	s23 =	smov.u32 s28;
	(pc) =	sbr.rel @p1 .LBB2_9-.Ltmp3, $4  }
0x111: {  	v8 =	vld [tilespmem:s29+$0x380]  }
0x112: {  	v13 =	vld [tilespmem:s23+$0x5370]  }
0x113: {  	v11 =	vld [tilespmem:s23+$0x5340]  }
0x114: {  	v10 =	vld [tilespmem:s23+$0x5320]  }
0x115: {  	_ = 	snop  }
0x116: {  	v12 =	vmul.f32 v12, v8  }
0x117: {  	v9 =	vmul.f32 v9, v8  }
0x118: {  	v14 =	vld [tilespmem:s23+$0x5310];
	v6 =	vmul.f32 v6, v8;
	[tilespmem:s23+$0x5330] =	vst v12  }
0x119: {  	v7 =	vmul.f32 v7, v8;
	[tilespmem:s23+$0x5360] =	vst v9  }
0x11a: {  	v13 =	vmul.f32 v13, v8;
	[tilespmem:s23+$0x5350] =	vst v6  }
0x11b: {  	v11 =	vmul.f32 v11, v8;
	[tilespmem:s23+$0x5300] =	vst v7  }
0x11c: {  	[tilespmem:s23+$0x5370] =	vst v13;
	v63 =	vmul.f32 v10, v8  }
0x11d: {  	v6 =	vmul.f32 v14, v8;
	[tilespmem:s23+$0x5340] =	vst v11  }
0x11e: {  	[tilespmem:s23+$0x5320] =	vst v63  }
0x11f: {  	[tilespmem:s23+$0x5310] =	vst v6  }
0x120: {  	[spmem:s2] =	stream.indirect.scatter.add.f32 [tilespmem:s16], [sflag:$0x2], $0x80, s3, s18, $0xb8;
	[tilespmem:$0x1FE00] =	vst v63  }
0x121: {  	_ =	swait.ge [sflag:s20], $0x4000  }
0x122: {  	[sflag:s20] =	ssyncset.done $0x0  }
0x123: {  	[sflag:s20] =	ssyncadd.s32 $0xFFFFC000  }
0x124: {  	v6 =	vld [tilespmem:$0x180];
	_ =	sdelay $0x2  }
0x125: {  	v7 =	vld [tilespmem:$0x280];
	_ =	sdelay $0x4  }
0x126: {  	[tilespmem:v6+s10+$0x0] =	vst.idx.add.f32.msk $0xffff, v7  }
0x127: {  	v6 =	vld [tilespmem:$0x190];
	_ =	sdelay $0x2  }
0x128: {  	v7 =	vld [tilespmem:$0x290];
	_ =	sdelay $0x4  }
0x129: {  	[tilespmem:v6+s10+$0x0] =	vst.idx.add.f32.msk $0xffff, v7  }
0x12a: {  	v6 =	vld [tilespmem:$0x1A0];
	_ =	sdelay $0x2  }
0x12b: {  	v7 =	vld [tilespmem:$0x2A0];
	_ =	sdelay $0x4  }
0x12c: {  	[tilespmem:v6+s10+$0x0] =	vst.idx.add.f32.msk $0xffff, v7  }
0x12d: {  	v6 =	vld [tilespmem:$0x1B0];
	_ =	sdelay $0x2  }
0x12e: {  	v7 =	vld [tilespmem:$0x2B0];
	_ =	sdelay $0x4  }
0x12f: {  	[tilespmem:v6+s10+$0x0] =	vst.idx.add.f32.msk $0xffff, v7  }
0x130: {  	v6 =	vld [tilespmem:$0x1C0];
	_ =	sdelay $0x2  }
0x131: {  	v7 =	vld [tilespmem:$0x2C0];
	_ =	sdelay $0x4  }
0x132: {  	[tilespmem:v6+s10+$0x0] =	vst.idx.add.f32.msk $0xffff, v7  }
0x133: {  	v6 =	vld [tilespmem:$0x1D0];
	_ =	sdelay $0x2  }
0x134: {  	v7 =	vld [tilespmem:$0x2D0];
	_ =	sdelay $0x4  }
0x135: {  	[tilespmem:v6+s10+$0x0] =	vst.idx.add.f32.msk $0xffff, v7  }
0x136: {  	v6 =	vld [tilespmem:$0x1E0];
	_ =	sdelay $0x2  }
0x137: {  	v7 =	vld [tilespmem:$0x2E0];
	_ =	sdelay $0x4  }
0x138: {  	[tilespmem:v6+s10+$0x0] =	vst.idx.add.f32.msk $0xffff, v7  }
0x139: {  	v6 =	vld [tilespmem:$0x1F0];
	_ =	sdelay $0x1  }
0x13a: {  	s22 =	sadd.s32 $0x1, s22  }
0x13b: {  	p1 =	sne.s32 s22, $0x14;
	v7 =	vld [tilespmem:$0x2F0]  }
.Ltmp4:
0x13c: {  	_ = 	snop;
	(pc) =	sbr.rel @p1 .LBB2_6-.Ltmp4, $2  }
0x13d: {  	_ =	sdelay $0x2  }
0x13e: {  	[tilespmem:v6+s10+$0x0] =	vst.idx.add.f32.msk $0xffff, v7  }
0x13f: {  	s23 =	rddreg [dreg:$0x3];
	s4 =	simm.s32 $0x50;
	s22 =	simm.s32 $0xBB00  }
0x140: {  	[spmem:s23] =	stream.indirect.scatter.add.f32 [tilespmem:s10], [sflag:$0x2], $0x80, s22, s4, $0xb8;
	[tilespmem:$0x1FE00] =	vst v63  }
0x141: {  	_ =	swait.ge [sflag:s20], $0x2800  }
0x142: {  	[sflag:s20] =	ssyncset.done $0x0  }
0x143: {  	[sflag:s20] =	ssyncadd.s32 $0xFFFFD800  }
0x144: {  	s26 =	stileid.u32;
	[bflag:$0x0] =	sbarrier.arrive $0xFFFF  }
0x145: {  	s4 =	sshll.u32 s26, $0x6;
	s24 =	rddreg [dreg:$0x6]  }
0x146: {  	s4 =	sor.u32 $0x1C02, s4;
	s25 =	rddreg [dreg:$0xb];
	s28 =	sshrl.u32 s24, $0x3  }
0x147: {  	[hbm:s25], [sflag:s4] =	dma.local [spmem:s28], $0x2800  }
0x148: {  	_ =	swait.ge [sflag:s20], $0x2800  }
0x149: {  	[sflag:s20] =	ssyncset.done $0x0  }
0x14a: {  	s22 =	sshrl.u32 @!p0 s23, $0x3;
	s25 =	rddreg [dreg:$0xc];
	[sflag:s20] =	ssyncadd.s32 $0xFFFFD800  }
0x14b: {  	[hbm:s25], [sflag:s4] =	dma.local @!p0 [spmem:s22], $0x500  }
0x14c: {  	s4 =	simm.s32 @!p0 $0x2  }
0x14d: {  	_ =	swait.ge @!p0 [sflag:s4], $0x500  }
0x14e: {  	s29 =	rddreg [dreg:$0x5]  }
0x14f: {  	s30 =	rddreg [dreg:$0xd];
	s22 =	sadd.s32 $0x1, s29  }
0x150: {  	p1 =	sne.s32 s22, s30  }
.Ltmp5:
0x151: {  	_ = 	snop;
	(pc) =	sbr.rel @p1 .LBB2_1-.Ltmp5, $3  }
0x152: {  	_ =	sdelay $0x1  }
0x153: {  	[sflag:s4] =	ssyncset.done @!p0 $0x0  }
0x154: {  	[sflag:s4] =	ssyncadd.s32 @!p0 $0xFFFFFB00  }
0x155: {  	_ =	sfence.sel $0x180000  }
0x156: {  	[bflag:$0x0] =	sbarrier.arrive $0xFFFF  }
0x157: {  	_ =	strace $0x90000047  }
0x158: {  	[bflag:$0x2] =	sbarrier.arrive $0xFFFF  }
0x159: {  	s0 =	rddreg [dreg:$0x4]  }
0x15a: {  	s0 =	sadd.s32 @!p0 $0x100000, s0  }
0x15b: {  	[sflag:s0] =	ssyncadd.tile.s32 @!p0 $0x1;
	_ =	shalt  }
.Lfunc_end2:
_tile_overlayer_lowered:
.L_overlay_start_2:
0x15c: {  	(tag) =	ssettag $0x2  }
0x15d: {  	s0 =	rddreg [dreg:$0x0];
	s2 =	stileid.u32  }
0x15e: {  	s1 =	rddreg [dreg:$0x1];
	p0 =	sne.s32 s2, $0x0  }
0x15f: {  	s3 =	rddreg [dreg:$0x2];
	[bflag:$0x3] =	sbarrier.arrive $0xFFFF;
	s2 =	simm.s32 @!p0 $0x1C02  }
0x160: {  	[timem:s3], [sflag:s2] =	dma.local @!p0 [hbm:s0], s1  }
0x161: {  	s0 =	simm.s32 @!p0 $0x2  }
0x162: {  	_ =	swait.ge @!p0 [sflag:s0], s1  }
0x163: {  	s1 =	ssub.s32 @!p0 $0x0, s1;
	[sflag:s0] =	ssyncset.done @!p0 $0x0  }
0x164: {  	[sflag:s0] =	ssyncadd.s32 @!p0 s1  }
0x165: {  	[bflag:$0x3] =	sbarrier.arrive $0xFFFF  }
0x166: {  	_ =	shalt  }

</sc_bundles>
